<compile_context>
chip_gen: v7x
topology: tpu7x:2x2x1
jax: 0.10.2.dev20260603
libtpu: 0.0.44.dev20260713+nightly
codegen_flags: <defaults>
</compile_context>

<pallas_src>
import functools

import jax
import jax.numpy as jnp
from jax import lax
from jax.experimental import pallas as pl
from jax.experimental.pallas import tpu as pltpu
from jax.experimental.pallas import tpu_sc as plsc

NUM_INPUTS = 8192
D_MODEL = 4096
TAU = 1.0

_L = 16
_NS = 16
_CHUNK = NUM_INPUTS // _NS
_NVEC = _CHUNK // _L
_PK = 2 * _L


def _argmax_gather_body(x_hbm, w_hbm, g_hbm, out_hbm,
                        w_v, g_v, stage, stage_idx, sh_val,
                        cval_v, row_v, sem_a, sem_b):
    sid = lax.axis_index("s")
    base = sid * _CHUNK

    cp_w = pltpu.async_copy(w_hbm.at[pl.ds(base, _CHUNK)], w_v, sem_a)
    cp_g = pltpu.async_copy(g_hbm.at[pl.ds(base, _CHUNK)], g_v, sem_b)
    cp_w.wait()
    cp_g.wait()

    lane = lax.iota(jnp.int32, _L)
    neg_inf = jnp.full((_L,), -jnp.inf, jnp.float32)
    bm, bi = neg_inf, jnp.zeros((_L,), jnp.int32)
    for j in range(_NVEC):
        v = w_v[pl.ds(j * _L, _L)] + g_v[pl.ds(j * _L, _L)]
        iv = lane + (base + j * _L)
        m = v > bm
        bm = jnp.where(m, v, bm)
        bi = jnp.where(m, iv, bi)

    stage[pl.ds(0, _L)] = bm
    stage[pl.ds(_L, _L)] = bi.astype(jnp.float32)
    pltpu.sync_copy(stage, sh_val.at[pl.ds(sid * _PK, _PK)])
    plsc.subcore_barrier()

    @pl.when(sid == 0)
    def _():
        pltpu.sync_copy(sh_val, cval_v)
        bm = cval_v[pl.ds(0, _L)]
        bi = cval_v[pl.ds(_L, _L)].astype(jnp.int32)
        for i in range(1, _NS):
            v = cval_v[pl.ds(i * _PK, _L)]
            iv = cval_v[pl.ds(i * _PK + _L, _L)].astype(jnp.int32)
            m = jnp.logical_or(v > bm, jnp.logical_and(v == bm, iv < bi))
            bm = jnp.where(m, v, bm)
            bi = jnp.where(m, iv, bi)
        for sh_amt in (8, 4, 2, 1):
            perm = jnp.bitwise_xor(lane, sh_amt)
            vm = bm.at[perm].get(mode="promise_in_bounds")
            vi = bi.at[perm].get(mode="promise_in_bounds")
            m = jnp.logical_or(vm > bm, jnp.logical_and(vm == bm, vi < bi))
            bm = jnp.where(m, vm, bm)
            bi = jnp.where(m, vi, bi)
        stage_idx[...] = bi
        pltpu.sync_copy(x_hbm.at[stage_idx.at[pl.ds(0, 1)]], row_v)
        pltpu.sync_copy(row_v, out_hbm)


@functools.cache
def _sc_argmax_gather():
    return pl.kernel(
        _argmax_gather_body,
        out_type=jax.ShapeDtypeStruct((1, D_MODEL), jnp.float32),
        mesh=plsc.VectorSubcoreMesh(core_axis_name="c", subcore_axis_name="s",
                                    num_cores=1, num_subcores=16),
        scratch_types=[
            pltpu.VMEM((_CHUNK,), jnp.float32),
            pltpu.VMEM((_CHUNK,), jnp.float32),
            pltpu.VMEM((_PK,), jnp.float32),
            pltpu.VMEM((_L,), jnp.int32),
            pltpu.VMEM_SHARED((_NS * _PK,), jnp.float32),
            pltpu.VMEM((_NS * _PK,), jnp.float32),
            pltpu.VMEM((1, D_MODEL), jnp.float32),
            pltpu.SemaphoreType.DMA,
            pltpu.SemaphoreType.DMA,
        ],
    )


def kernel(x, weights):
    gkey = jax.random.key(42)
    u = jax.random.uniform(gkey, weights.shape, dtype=weights.dtype,
                           minval=1e-10, maxval=1.0)
    gumbels = -jnp.log(-jnp.log(u))
    return _sc_argmax_gather()(x, weights, gumbels)

# --- scband reference (transcript-rebuilt; emitter-appended) ---
"""Pipeline reference for scband-attention-3212635537511 (READ-ONLY COPY).

The authoritative reference and input builder live on the scoring server;
editing this copy changes nothing except your own understanding.
"""

import jax, jax.numpy as jnp
import numpy as np

NUM_INPUTS = 8192
D_MODEL = 4096
TAU = 1.0


def setup_inputs(seed: int = 0) -> dict:
    key = jax.random.key(seed)
    k1, k2 = jax.random.split(key)
    x = jax.random.normal(k1, (NUM_INPUTS, D_MODEL), dtype=jnp.float32)
    # learned parameter of the module: weights of shape [num_inputs]
    weights = jax.random.normal(k2, (NUM_INPUTS,), dtype=jnp.float32) * 0.02
    return {"x": x, "weights": weights}


def _gumbel_softmax_hard(weights, tau):
    # fixed key for deterministic reference (torch samples gumbel noise in forward)
    gkey = jax.random.key(42)
    u = jax.random.uniform(gkey, weights.shape, dtype=weights.dtype, minval=1e-10, maxval=1.0)
    gumbels = -jnp.log(-jnp.log(u))
    logits = (weights + gumbels) / tau
    y_soft = jax.nn.softmax(logits, axis=-1)
    idx = jnp.argmax(y_soft, axis=-1)
    one_hot = jax.nn.one_hot(idx, weights.shape[0], dtype=weights.dtype)
    # straight-through estimator, as in F.gumbel_softmax(hard=True)
    y_hard = one_hot - jax.lax.stop_gradient(y_soft) + y_soft
    return y_hard, idx


def reference(x, weights):
    # one_hot = F.gumbel_softmax(weights, tau=temp, hard=True)
    y_hard, idx = _gumbel_softmax_hard(weights, TAU)
    # index = (one_hot == 1).nonzero(...)[0]; return x[index]  -> shape [1, D]
    out = jax.lax.dynamic_slice_in_dim(x, idx, 1, axis=0)
    return out

if __name__ == "__main__":
    import jax
    _d = setup_inputs()
    print(jax.jit(kernel)(*tuple(_d.values())))

</pallas_src>

<mosaic_0001>
#map = affine_map<(d0, d1) -> (0, 0)>
#map1 = affine_map<(d0, d1) -> (0)>
module attributes {stable_mosaic.version = 14 : i64} {
  func.func @_argmax_gather_body(%arg0: i32, %arg1: i32, %arg2: memref<8192x4096xf32, #tpu.memory_space<hbm>>, %arg3: memref<8192xf32, #tpu.memory_space<hbm>>, %arg4: memref<8192xf32, #tpu.memory_space<hbm>>, %arg5: memref<1x4096xf32, #tpu.memory_space<hbm>>, %arg6: memref<512xf32, #tpu.memory_space<vmem>>, %arg7: memref<512xf32, #tpu.memory_space<vmem>>, %arg8: memref<32xf32, #tpu.memory_space<vmem>>, %arg9: memref<16xi32, #tpu.memory_space<vmem>>, %arg10: memref<512xf32, #tpu.memory_space<vmem_shared>>, %arg11: memref<512xf32, #tpu.memory_space<vmem>>, %arg12: memref<1x4096xf32, #tpu.memory_space<vmem>>, %arg13: memref<!tpu.dma_semaphore, #tpu.memory_space<semaphore_mem>>, %arg14: memref<!tpu.dma_semaphore, #tpu.memory_space<semaphore_mem>>) attributes {dimension_semantics = [#tpu.dimension_semantics<core_parallel>, #tpu.dimension_semantics<subcore_parallel>], iteration_bounds = array<i64: 1, 16>, scalar_prefetch = 0 : i64, scratch_operands = 9 : i64, tpu.core_type = #tpu.core_type<sc_vector_subcore>, window_params = [{transform_indices = #map}, {transform_indices = #map1}, {transform_indices = #map1}, {transform_indices = #map}]} {
    %mul3A = arith.constant 512 : i32
    %mul3A_0 = arith.muli %arg1, %mul3A : i32
    %dma_start3A = tpu.memref_slice %arg3[%mul3A_0] : memref<8192xf32, #tpu.memory_space<hbm>> -> memref<512xf32, #tpu.memory_space<hbm>>
    %dma_start3A_1 = tpu.memref_slice %arg3[%mul3A_0] : memref<8192xf32, #tpu.memory_space<hbm>> -> memref<512xf32, #tpu.memory_space<hbm>>
    tpu.enqueue_dma source(%dma_start3A_1 : memref<512xf32, #tpu.memory_space<hbm>>) target(%arg6 : memref<512xf32, #tpu.memory_space<vmem>>) target_semaphore(%arg13 : memref<!tpu.dma_semaphore, #tpu.memory_space<semaphore_mem>>)
    %dma_start3A_2 = tpu.memref_slice %arg4[%mul3A_0] : memref<8192xf32, #tpu.memory_space<hbm>> -> memref<512xf32, #tpu.memory_space<hbm>>
    %dma_start3A_3 = tpu.memref_slice %arg4[%mul3A_0] : memref<8192xf32, #tpu.memory_space<hbm>> -> memref<512xf32, #tpu.memory_space<hbm>>
    tpu.enqueue_dma source(%dma_start3A_3 : memref<512xf32, #tpu.memory_space<hbm>>) target(%arg7 : memref<512xf32, #tpu.memory_space<vmem>>) target_semaphore(%arg14 : memref<!tpu.dma_semaphore, #tpu.memory_space<semaphore_mem>>)
    %dma_wait3A = tpu.memref_slice %arg3[%mul3A_0] : memref<8192xf32, #tpu.memory_space<hbm>> -> memref<512xf32, #tpu.memory_space<hbm>>
    %dma_wait3A_4 = tpu.memref_slice %arg3[%mul3A_0] : memref<8192xf32, #tpu.memory_space<hbm>> -> memref<512xf32, #tpu.memory_space<hbm>>
    tpu.wait_dma2 semaphore(%arg13 : memref<!tpu.dma_semaphore, #tpu.memory_space<semaphore_mem>>) src(%dma_wait3A_4 : memref<512xf32, #tpu.memory_space<hbm>>) dst(%arg6 : memref<512xf32, #tpu.memory_space<vmem>>)
    %dma_wait3A_5 = tpu.memref_slice %arg4[%mul3A_0] : memref<8192xf32, #tpu.memory_space<hbm>> -> memref<512xf32, #tpu.memory_space<hbm>>
    %dma_wait3A_6 = tpu.memref_slice %arg4[%mul3A_0] : memref<8192xf32, #tpu.memory_space<hbm>> -> memref<512xf32, #tpu.memory_space<hbm>>
    tpu.wait_dma2 semaphore(%arg14 : memref<!tpu.dma_semaphore, #tpu.memory_space<semaphore_mem>>) src(%dma_wait3A_6 : memref<512xf32, #tpu.memory_space<hbm>>) dst(%arg7 : memref<512xf32, #tpu.memory_space<vmem>>)
    %iota3A = tpu.iota {dimensions = array<i32: 0>} : vector<16xi32>
    %broadcast_in_dim3A = arith.constant 0xFF800000 : f32
    %broadcast_in_dim3A_7 = vector.broadcast %broadcast_in_dim3A : f32 to vector<16xf32>
    %broadcast_in_dim3A_8 = arith.constant 0 : i32
    %broadcast_in_dim3A_9 = vector.broadcast %broadcast_in_dim3A_8 : i32 to vector<16xi32>
    %get3A = arith.constant 0 : index
    %get3A_10 = tpu.vector_load %arg6[%get3A] {strides = array<i32>} : memref<512xf32, #tpu.memory_space<vmem>>, vector<16xf32>,
    %get3A_11 = vector.shape_cast %get3A_10 : vector<16xf32> to vector<16xf32>
    %get3A_12 = arith.constant 0 : index
    %get3A_13 = tpu.vector_load %arg7[%get3A_12] {strides = array<i32>} : memref<512xf32, #tpu.memory_space<vmem>>, vector<16xf32>,
    %get3A_14 = vector.shape_cast %get3A_13 : vector<16xf32> to vector<16xf32>
    %add3A = arith.addf %get3A_11, %get3A_14 : vector<16xf32>
    %add3A_15 = arith.constant 0 : i32
    %add3A_16 = arith.addi %mul3A_0, %add3A_15 : i32
    %add3A_17 = vector.broadcast %add3A_16 : i32 to vector<16xi32>
    %add3A_18 = arith.addi %iota3A, %add3A_17 : vector<16xi32>
    %gt3A = arith.cmpf ogt, %add3A, %broadcast_in_dim3A_7 : vector<16xf32>
    %select_n3A = arith.select %gt3A, %add3A, %broadcast_in_dim3A_7 : vector<16xi1>, vector<16xf32>
    %select_n3A_19 = arith.select %gt3A, %add3A_18, %broadcast_in_dim3A_9 : vector<16xi1>, vector<16xi32>
    %get3A_20 = arith.constant 16 : index
    %get3A_21 = tpu.vector_load %arg6[%get3A_20] {strides = array<i32>} : memref<512xf32, #tpu.memory_space<vmem>>, vector<16xf32>,
    %get3A_22 = vector.shape_cast %get3A_21 : vector<16xf32> to vector<16xf32>
    %get3A_23 = arith.constant 16 : index
    %get3A_24 = tpu.vector_load %arg7[%get3A_23] {strides = array<i32>} : memref<512xf32, #tpu.memory_space<vmem>>, vector<16xf32>,
    %get3A_25 = vector.shape_cast %get3A_24 : vector<16xf32> to vector<16xf32>
    %add3A_26 = arith.addf %get3A_22, %get3A_25 : vector<16xf32>
    %add3A_27 = arith.constant 16 : i32
    %add3A_28 = arith.addi %mul3A_0, %add3A_27 : i32
    %add3A_29 = vector.broadcast %add3A_28 : i32 to vector<16xi32>
    %add3A_30 = arith.addi %iota3A, %add3A_29 : vector<16xi32>
    %gt3A_31 = arith.cmpf ogt, %add3A_26, %select_n3A : vector<16xf32>
    %select_n3A_32 = arith.select %gt3A_31, %add3A_26, %select_n3A : vector<16xi1>, vector<16xf32>
    %select_n3A_33 = arith.select %gt3A_31, %add3A_30, %select_n3A_19 : vector<16xi1>, vector<16xi32>
    %get3A_34 = arith.constant 32 : index
    %get3A_35 = tpu.vector_load %arg6[%get3A_34] {strides = array<i32>} : memref<512xf32, #tpu.memory_space<vmem>>, vector<16xf32>,
    %get3A_36 = vector.shape_cast %get3A_35 : vector<16xf32> to vector<16xf32>
    %get3A_37 = arith.constant 32 : index
    %get3A_38 = tpu.vector_load %arg7[%get3A_37] {strides = array<i32>} : memref<512xf32, #tpu.memory_space<vmem>>, vector<16xf32>,
    %get3A_39 = vector.shape_cast %get3A_38 : vector<16xf32> to vector<16xf32>
    %add3A_40 = arith.addf %get3A_36, %get3A_39 : vector<16xf32>
    %add3A_41 = arith.constant 32 : i32
    %add3A_42 = arith.addi %mul3A_0, %add3A_41 : i32
    %add3A_43 = vector.broadcast %add3A_42 : i32 to vector<16xi32>
    %add3A_44 = arith.addi %iota3A, %add3A_43 : vector<16xi32>
    %gt3A_45 = arith.cmpf ogt, %add3A_40, %select_n3A_32 : vector<16xf32>
    %select_n3A_46 = arith.select %gt3A_45, %add3A_40, %select_n3A_32 : vector<16xi1>, vector<16xf32>
    %select_n3A_47 = arith.select %gt3A_45, %add3A_44, %select_n3A_33 : vector<16xi1>, vector<16xi32>
    %get3A_48 = arith.constant 48 : index
    %get3A_49 = tpu.vector_load %arg6[%get3A_48] {strides = array<i32>} : memref<512xf32, #tpu.memory_space<vmem>>, vector<16xf32>,
    %get3A_50 = vector.shape_cast %get3A_49 : vector<16xf32> to vector<16xf32>
    %get3A_51 = arith.constant 48 : index
    %get3A_52 = tpu.vector_load %arg7[%get3A_51] {strides = array<i32>} : memref<512xf32, #tpu.memory_space<vmem>>, vector<16xf32>,
    %get3A_53 = vector.shape_cast %get3A_52 : vector<16xf32> to vector<16xf32>
    %add3A_54 = arith.addf %get3A_50, %get3A_53 : vector<16xf32>
    %add3A_55 = arith.constant 48 : i32
    %add3A_56 = arith.addi %mul3A_0, %add3A_55 : i32
    %add3A_57 = vector.broadcast %add3A_56 : i32 to vector<16xi32>
    %add3A_58 = arith.addi %iota3A, %add3A_57 : vector<16xi32>
    %gt3A_59 = arith.cmpf ogt, %add3A_54, %select_n3A_46 : vector<16xf32>
    %select_n3A_60 = arith.select %gt3A_59, %add3A_54, %select_n3A_46 : vector<16xi1>, vector<16xf32>
    %select_n3A_61 = arith.select %gt3A_59, %add3A_58, %select_n3A_47 : vector<16xi1>, vector<16xi32>
    %get3A_62 = arith.constant 64 : index
    %get3A_63 = tpu.vector_load %arg6[%get3A_62] {strides = array<i32>} : memref<512xf32, #tpu.memory_space<vmem>>, vector<16xf32>,
    %get3A_64 = vector.shape_cast %get3A_63 : vector<16xf32> to vector<16xf32>
    %get3A_65 = arith.constant 64 : index
    %get3A_66 = tpu.vector_load %arg7[%get3A_65] {strides = array<i32>} : memref<512xf32, #tpu.memory_space<vmem>>, vector<16xf32>,
    %get3A_67 = vector.shape_cast %get3A_66 : vector<16xf32> to vector<16xf32>
    %add3A_68 = arith.addf %get3A_64, %get3A_67 : vector<16xf32>
    %add3A_69 = arith.constant 64 : i32
    %add3A_70 = arith.addi %mul3A_0, %add3A_69 : i32
    %add3A_71 = vector.broadcast %add3A_70 : i32 to vector<16xi32>
    %add3A_72 = arith.addi %iota3A, %add3A_71 : vector<16xi32>
    %gt3A_73 = arith.cmpf ogt, %add3A_68, %select_n3A_60 : vector<16xf32>
    %select_n3A_74 = arith.select %gt3A_73, %add3A_68, %select_n3A_60 : vector<16xi1>, vector<16xf32>
    %select_n3A_75 = arith.select %gt3A_73, %add3A_72, %select_n3A_61 : vector<16xi1>, vector<16xi32>
    %get3A_76 = arith.constant 80 : index
    %get3A_77 = tpu.vector_load %arg6[%get3A_76] {strides = array<i32>} : memref<512xf32, #tpu.memory_space<vmem>>, vector<16xf32>,
    %get3A_78 = vector.shape_cast %get3A_77 : vector<16xf32> to vector<16xf32>
    %get3A_79 = arith.constant 80 : index
    %get3A_80 = tpu.vector_load %arg7[%get3A_79] {strides = array<i32>} : memref<512xf32, #tpu.memory_space<vmem>>, vector<16xf32>,
    %get3A_81 = vector.shape_cast %get3A_80 : vector<16xf32> to vector<16xf32>
    %add3A_82 = arith.addf %get3A_78, %get3A_81 : vector<16xf32>
    %add3A_83 = arith.constant 80 : i32
    %add3A_84 = arith.addi %mul3A_0, %add3A_83 : i32
    %add3A_85 = vector.broadcast %add3A_84 : i32 to vector<16xi32>
    %add3A_86 = arith.addi %iota3A, %add3A_85 : vector<16xi32>
    %gt3A_87 = arith.cmpf ogt, %add3A_82, %select_n3A_74 : vector<16xf32>
    %select_n3A_88 = arith.select %gt3A_87, %add3A_82, %select_n3A_74 : vector<16xi1>, vector<16xf32>
    %select_n3A_89 = arith.select %gt3A_87, %add3A_86, %select_n3A_75 : vector<16xi1>, vector<16xi32>
    %get3A_90 = arith.constant 96 : index
    %get3A_91 = tpu.vector_load %arg6[%get3A_90] {strides = array<i32>} : memref<512xf32, #tpu.memory_space<vmem>>, vector<16xf32>,
    %get3A_92 = vector.shape_cast %get3A_91 : vector<16xf32> to vector<16xf32>
    %get3A_93 = arith.constant 96 : index
    %get3A_94 = tpu.vector_load %arg7[%get3A_93] {strides = array<i32>} : memref<512xf32, #tpu.memory_space<vmem>>, vector<16xf32>,
    %get3A_95 = vector.shape_cast %get3A_94 : vector<16xf32> to vector<16xf32>
    %add3A_96 = arith.addf %get3A_92, %get3A_95 : vector<16xf32>
    %add3A_97 = arith.constant 96 : i32
    %add3A_98 = arith.addi %mul3A_0, %add3A_97 : i32
    %add3A_99 = vector.broadcast %add3A_98 : i32 to vector<16xi32>
    %add3A_100 = arith.addi %iota3A, %add3A_99 : vector<16xi32>
    %gt3A_101 = arith.cmpf ogt, %add3A_96, %select_n3A_88 : vector<16xf32>
    %select_n3A_102 = arith.select %gt3A_101, %add3A_96, %select_n3A_88 : vector<16xi1>, vector<16xf32>
    %select_n3A_103 = arith.select %gt3A_101, %add3A_100, %select_n3A_89 : vector<16xi1>, vector<16xi32>
    %get3A_104 = arith.constant 112 : index
    %get3A_105 = tpu.vector_load %arg6[%get3A_104] {strides = array<i32>} : memref<512xf32, #tpu.memory_space<vmem>>, vector<16xf32>,
    %get3A_106 = vector.shape_cast %get3A_105 : vector<16xf32> to vector<16xf32>
    %get3A_107 = arith.constant 112 : index
    %get3A_108 = tpu.vector_load %arg7[%get3A_107] {strides = array<i32>} : memref<512xf32, #tpu.memory_space<vmem>>, vector<16xf32>,
    %get3A_109 = vector.shape_cast %get3A_108 : vector<16xf32> to vector<16xf32>
    %add3A_110 = arith.addf %get3A_106, %get3A_109 : vector<16xf32>
    %add3A_111 = arith.constant 112 : i32
    %add3A_112 = arith.addi %mul3A_0, %add3A_111 : i32
    %add3A_113 = vector.broadcast %add3A_112 : i32 to vector<16xi32>
    %add3A_114 = arith.addi %iota3A, %add3A_113 : vector<16xi32>
    %gt3A_115 = arith.cmpf ogt, %add3A_110, %select_n3A_102 : vector<16xf32>
    %select_n3A_116 = arith.select %gt3A_115, %add3A_110, %select_n3A_102 : vector<16xi1>, vector<16xf32>
    %select_n3A_117 = arith.select %gt3A_115, %add3A_114, %select_n3A_103 : vector<16xi1>, vector<16xi32>
    %get3A_118 = arith.constant 128 : index
    %get3A_119 = tpu.vector_load %arg6[%get3A_118] {strides = array<i32>} : memref<512xf32, #tpu.memory_space<vmem>>, vector<16xf32>,
    %get3A_120 = vector.shape_cast %get3A_119 : vector<16xf32> to vector<16xf32>
    %get3A_121 = arith.constant 128 : index
    %get3A_122 = tpu.vector_load %arg7[%get3A_121] {strides = array<i32>} : memref<512xf32, #tpu.memory_space<vmem>>, vector<16xf32>,
    %get3A_123 = vector.shape_cast %get3A_122 : vector<16xf32> to vector<16xf32>
    %add3A_124 = arith.addf %get3A_120, %get3A_123 : vector<16xf32>
    %add3A_125 = arith.constant 128 : i32
    %add3A_126 = arith.addi %mul3A_0, %add3A_125 : i32
    %add3A_127 = vector.broadcast %add3A_126 : i32 to vector<16xi32>
    %add3A_128 = arith.addi %iota3A, %add3A_127 : vector<16xi32>
    %gt3A_129 = arith.cmpf ogt, %add3A_124, %select_n3A_116 : vector<16xf32>
    %select_n3A_130 = arith.select %gt3A_129, %add3A_124, %select_n3A_116 : vector<16xi1>, vector<16xf32>
    %select_n3A_131 = arith.select %gt3A_129, %add3A_128, %select_n3A_117 : vector<16xi1>, vector<16xi32>
    %get3A_132 = arith.constant 144 : index
    %get3A_133 = tpu.vector_load %arg6[%get3A_132] {strides = array<i32>} : memref<512xf32, #tpu.memory_space<vmem>>, vector<16xf32>,
    %get3A_134 = vector.shape_cast %get3A_133 : vector<16xf32> to vector<16xf32>
    %get3A_135 = arith.constant 144 : index
    %get3A_136 = tpu.vector_load %arg7[%get3A_135] {strides = array<i32>} : memref<512xf32, #tpu.memory_space<vmem>>, vector<16xf32>,
    %get3A_137 = vector.shape_cast %get3A_136 : vector<16xf32> to vector<16xf32>
    %add3A_138 = arith.addf %get3A_134, %get3A_137 : vector<16xf32>
    %add3A_139 = arith.constant 144 : i32
    %add3A_140 = arith.addi %mul3A_0, %add3A_139 : i32
    %add3A_141 = vector.broadcast %add3A_140 : i32 to vector<16xi32>
    %add3A_142 = arith.addi %iota3A, %add3A_141 : vector<16xi32>
    %gt3A_143 = arith.cmpf ogt, %add3A_138, %select_n3A_130 : vector<16xf32>
    %select_n3A_144 = arith.select %gt3A_143, %add3A_138, %select_n3A_130 : vector<16xi1>, vector<16xf32>
    %select_n3A_145 = arith.select %gt3A_143, %add3A_142, %select_n3A_131 : vector<16xi1>, vector<16xi32>
    %get3A_146 = arith.constant 160 : index
    %get3A_147 = tpu.vector_load %arg6[%get3A_146] {strides = array<i32>} : memref<512xf32, #tpu.memory_space<vmem>>, vector<16xf32>,
    %get3A_148 = vector.shape_cast %get3A_147 : vector<16xf32> to vector<16xf32>
    %get3A_149 = arith.constant 160 : index
    %get3A_150 = tpu.vector_load %arg7[%get3A_149] {strides = array<i32>} : memref<512xf32, #tpu.memory_space<vmem>>, vector<16xf32>,
    %get3A_151 = vector.shape_cast %get3A_150 : vector<16xf32> to vector<16xf32>
    %add3A_152 = arith.addf %get3A_148, %get3A_151 : vector<16xf32>
    %add3A_153 = arith.constant 160 : i32
    %add3A_154 = arith.addi %mul3A_0, %add3A_153 : i32
    %add3A_155 = vector.broadcast %add3A_154 : i32 to vector<16xi32>
    %add3A_156 = arith.addi %iota3A, %add3A_155 : vector<16xi32>
    %gt3A_157 = arith.cmpf ogt, %add3A_152, %select_n3A_144 : vector<16xf32>
    %select_n3A_158 = arith.select %gt3A_157, %add3A_152, %select_n3A_144 : vector<16xi1>, vector<16xf32>
    %select_n3A_159 = arith.select %gt3A_157, %add3A_156, %select_n3A_145 : vector<16xi1>, vector<16xi32>
    %get3A_160 = arith.constant 176 : index
    %get3A_161 = tpu.vector_load %arg6[%get3A_160] {strides = array<i32>} : memref<512xf32, #tpu.memory_space<vmem>>, vector<16xf32>,
    %get3A_162 = vector.shape_cast %get3A_161 : vector<16xf32> to vector<16xf32>
    %get3A_163 = arith.constant 176 : index
    %get3A_164 = tpu.vector_load %arg7[%get3A_163] {strides = array<i32>} : memref<512xf32, #tpu.memory_space<vmem>>, vector<16xf32>,
    %get3A_165 = vector.shape_cast %get3A_164 : vector<16xf32> to vector<16xf32>
    %add3A_166 = arith.addf %get3A_162, %get3A_165 : vector<16xf32>
    %add3A_167 = arith.constant 176 : i32
    %add3A_168 = arith.addi %mul3A_0, %add3A_167 : i32
    %add3A_169 = vector.broadcast %add3A_168 : i32 to vector<16xi32>
    %add3A_170 = arith.addi %iota3A, %add3A_169 : vector<16xi32>
    %gt3A_171 = arith.cmpf ogt, %add3A_166, %select_n3A_158 : vector<16xf32>
    %select_n3A_172 = arith.select %gt3A_171, %add3A_166, %select_n3A_158 : vector<16xi1>, vector<16xf32>
    %select_n3A_173 = arith.select %gt3A_171, %add3A_170, %select_n3A_159 : vector<16xi1>, vector<16xi32>
    %get3A_174 = arith.constant 192 : index
    %get3A_175 = tpu.vector_load %arg6[%get3A_174] {strides = array<i32>} : memref<512xf32, #tpu.memory_space<vmem>>, vector<16xf32>,
    %get3A_176 = vector.shape_cast %get3A_175 : vector<16xf32> to vector<16xf32>
    %get3A_177 = arith.constant 192 : index
    %get3A_178 = tpu.vector_load %arg7[%get3A_177] {strides = array<i32>} : memref<512xf32, #tpu.memory_space<vmem>>, vector<16xf32>,
    %get3A_179 = vector.shape_cast %get3A_178 : vector<16xf32> to vector<16xf32>
    %add3A_180 = arith.addf %get3A_176, %get3A_179 : vector<16xf32>
    %add3A_181 = arith.constant 192 : i32
    %add3A_182 = arith.addi %mul3A_0, %add3A_181 : i32
    %add3A_183 = vector.broadcast %add3A_182 : i32 to vector<16xi32>
    %add3A_184 = arith.addi %iota3A, %add3A_183 : vector<16xi32>
    %gt3A_185 = arith.cmpf ogt, %add3A_180, %select_n3A_172 : vector<16xf32>
    %select_n3A_186 = arith.select %gt3A_185, %add3A_180, %select_n3A_172 : vector<16xi1>, vector<16xf32>
    %select_n3A_187 = arith.select %gt3A_185, %add3A_184, %select_n3A_173 : vector<16xi1>, vector<16xi32>
    %get3A_188 = arith.constant 208 : index
    %get3A_189 = tpu.vector_load %arg6[%get3A_188] {strides = array<i32>} : memref<512xf32, #tpu.memory_space<vmem>>, vector<16xf32>,
    %get3A_190 = vector.shape_cast %get3A_189 : vector<16xf32> to vector<16xf32>
    %get3A_191 = arith.constant 208 : index
    %get3A_192 = tpu.vector_load %arg7[%get3A_191] {strides = array<i32>} : memref<512xf32, #tpu.memory_space<vmem>>, vector<16xf32>,
    %get3A_193 = vector.shape_cast %get3A_192 : vector<16xf32> to vector<16xf32>
    %add3A_194 = arith.addf %get3A_190, %get3A_193 : vector<16xf32>
    %add3A_195 = arith.constant 208 : i32
    %add3A_196 = arith.addi %mul3A_0, %add3A_195 : i32
    %add3A_197 = vector.broadcast %add3A_196 : i32 to vector<16xi32>
    %add3A_198 = arith.addi %iota3A, %add3A_197 : vector<16xi32>
    %gt3A_199 = arith.cmpf ogt, %add3A_194, %select_n3A_186 : vector<16xf32>
    %select_n3A_200 = arith.select %gt3A_199, %add3A_194, %select_n3A_186 : vector<16xi1>, vector<16xf32>
    %select_n3A_201 = arith.select %gt3A_199, %add3A_198, %select_n3A_187 : vector<16xi1>, vector<16xi32>
    %get3A_202 = arith.constant 224 : index
    %get3A_203 = tpu.vector_load %arg6[%get3A_202] {strides = array<i32>} : memref<512xf32, #tpu.memory_space<vmem>>, vector<16xf32>,
    %get3A_204 = vector.shape_cast %get3A_203 : vector<16xf32> to vector<16xf32>
    %get3A_205 = arith.constant 224 : index
    %get3A_206 = tpu.vector_load %arg7[%get3A_205] {strides = array<i32>} : memref<512xf32, #tpu.memory_space<vmem>>, vector<16xf32>,
    %get3A_207 = vector.shape_cast %get3A_206 : vector<16xf32> to vector<16xf32>
    %add3A_208 = arith.addf %get3A_204, %get3A_207 : vector<16xf32>
    %add3A_209 = arith.constant 224 : i32
    %add3A_210 = arith.addi %mul3A_0, %add3A_209 : i32
    %add3A_211 = vector.broadcast %add3A_210 : i32 to vector<16xi32>
    %add3A_212 = arith.addi %iota3A, %add3A_211 : vector<16xi32>
    %gt3A_213 = arith.cmpf ogt, %add3A_208, %select_n3A_200 : vector<16xf32>
    %select_n3A_214 = arith.select %gt3A_213, %add3A_208, %select_n3A_200 : vector<16xi1>, vector<16xf32>
    %select_n3A_215 = arith.select %gt3A_213, %add3A_212, %select_n3A_201 : vector<16xi1>, vector<16xi32>
    %get3A_216 = arith.constant 240 : index
    %get3A_217 = tpu.vector_load %arg6[%get3A_216] {strides = array<i32>} : memref<512xf32, #tpu.memory_space<vmem>>, vector<16xf32>,
    %get3A_218 = vector.shape_cast %get3A_217 : vector<16xf32> to vector<16xf32>
    %get3A_219 = arith.constant 240 : index
    %get3A_220 = tpu.vector_load %arg7[%get3A_219] {strides = array<i32>} : memref<512xf32, #tpu.memory_space<vmem>>, vector<16xf32>,
    %get3A_221 = vector.shape_cast %get3A_220 : vector<16xf32> to vector<16xf32>
    %add3A_222 = arith.addf %get3A_218, %get3A_221 : vector<16xf32>
    %add3A_223 = arith.constant 240 : i32
    %add3A_224 = arith.addi %mul3A_0, %add3A_223 : i32
    %add3A_225 = vector.broadcast %add3A_224 : i32 to vector<16xi32>
    %add3A_226 = arith.addi %iota3A, %add3A_225 : vector<16xi32>
    %gt3A_227 = arith.cmpf ogt, %add3A_222, %select_n3A_214 : vector<16xf32>
    %select_n3A_228 = arith.select %gt3A_227, %add3A_222, %select_n3A_214 : vector<16xi1>, vector<16xf32>
    %select_n3A_229 = arith.select %gt3A_227, %add3A_226, %select_n3A_215 : vector<16xi1>, vector<16xi32>
    %get3A_230 = arith.constant 256 : index
    %get3A_231 = tpu.vector_load %arg6[%get3A_230] {strides = array<i32>} : memref<512xf32, #tpu.memory_space<vmem>>, vector<16xf32>,
    %get3A_232 = vector.shape_cast %get3A_231 : vector<16xf32> to vector<16xf32>
    %get3A_233 = arith.constant 256 : index
    %get3A_234 = tpu.vector_load %arg7[%get3A_233] {strides = array<i32>} : memref<512xf32, #tpu.memory_space<vmem>>, vector<16xf32>,
    %get3A_235 = vector.shape_cast %get3A_234 : vector<16xf32> to vector<16xf32>
    %add3A_236 = arith.addf %get3A_232, %get3A_235 : vector<16xf32>
    %add3A_237 = arith.constant 256 : i32
    %add3A_238 = arith.addi %mul3A_0, %add3A_237 : i32
    %add3A_239 = vector.broadcast %add3A_238 : i32 to vector<16xi32>
    %add3A_240 = arith.addi %iota3A, %add3A_239 : vector<16xi32>
    %gt3A_241 = arith.cmpf ogt, %add3A_236, %select_n3A_228 : vector<16xf32>
    %select_n3A_242 = arith.select %gt3A_241, %add3A_236, %select_n3A_228 : vector<16xi1>, vector<16xf32>
    %select_n3A_243 = arith.select %gt3A_241, %add3A_240, %select_n3A_229 : vector<16xi1>, vector<16xi32>
    %get3A_244 = arith.constant 272 : index
    %get3A_245 = tpu.vector_load %arg6[%get3A_244] {strides = array<i32>} : memref<512xf32, #tpu.memory_space<vmem>>, vector<16xf32>,
    %get3A_246 = vector.shape_cast %get3A_245 : vector<16xf32> to vector<16xf32>
    %get3A_247 = arith.constant 272 : index
    %get3A_248 = tpu.vector_load %arg7[%get3A_247] {strides = array<i32>} : memref<512xf32, #tpu.memory_space<vmem>>, vector<16xf32>,
    %get3A_249 = vector.shape_cast %get3A_248 : vector<16xf32> to vector<16xf32>
    %add3A_250 = arith.addf %get3A_246, %get3A_249 : vector<16xf32>
    %add3A_251 = arith.constant 272 : i32
    %add3A_252 = arith.addi %mul3A_0, %add3A_251 : i32
    %add3A_253 = vector.broadcast %add3A_252 : i32 to vector<16xi32>
    %add3A_254 = arith.addi %iota3A, %add3A_253 : vector<16xi32>
    %gt3A_255 = arith.cmpf ogt, %add3A_250, %select_n3A_242 : vector<16xf32>
    %select_n3A_256 = arith.select %gt3A_255, %add3A_250, %select_n3A_242 : vector<16xi1>, vector<16xf32>
    %select_n3A_257 = arith.select %gt3A_255, %add3A_254, %select_n3A_243 : vector<16xi1>, vector<16xi32>
    %get3A_258 = arith.constant 288 : index
    %get3A_259 = tpu.vector_load %arg6[%get3A_258] {strides = array<i32>} : memref<512xf32, #tpu.memory_space<vmem>>, vector<16xf32>,
    %get3A_260 = vector.shape_cast %get3A_259 : vector<16xf32> to vector<16xf32>
    %get3A_261 = arith.constant 288 : index
    %get3A_262 = tpu.vector_load %arg7[%get3A_261] {strides = array<i32>} : memref<512xf32, #tpu.memory_space<vmem>>, vector<16xf32>,
    %get3A_263 = vector.shape_cast %get3A_262 : vector<16xf32> to vector<16xf32>
    %add3A_264 = arith.addf %get3A_260, %get3A_263 : vector<16xf32>
    %add3A_265 = arith.constant 288 : i32
    %add3A_266 = arith.addi %mul3A_0, %add3A_265 : i32
    %add3A_267 = vector.broadcast %add3A_266 : i32 to vector<16xi32>
    %add3A_268 = arith.addi %iota3A, %add3A_267 : vector<16xi32>
    %gt3A_269 = arith.cmpf ogt, %add3A_264, %select_n3A_256 : vector<16xf32>
    %select_n3A_270 = arith.select %gt3A_269, %add3A_264, %select_n3A_256 : vector<16xi1>, vector<16xf32>
    %select_n3A_271 = arith.select %gt3A_269, %add3A_268, %select_n3A_257 : vector<16xi1>, vector<16xi32>
    %get3A_272 = arith.constant 304 : index
    %get3A_273 = tpu.vector_load %arg6[%get3A_272] {strides = array<i32>} : memref<512xf32, #tpu.memory_space<vmem>>, vector<16xf32>,
    %get3A_274 = vector.shape_cast %get3A_273 : vector<16xf32> to vector<16xf32>
    %get3A_275 = arith.constant 304 : index
    %get3A_276 = tpu.vector_load %arg7[%get3A_275] {strides = array<i32>} : memref<512xf32, #tpu.memory_space<vmem>>, vector<16xf32>,
    %get3A_277 = vector.shape_cast %get3A_276 : vector<16xf32> to vector<16xf32>
    %add3A_278 = arith.addf %get3A_274, %get3A_277 : vector<16xf32>
    %add3A_279 = arith.constant 304 : i32
    %add3A_280 = arith.addi %mul3A_0, %add3A_279 : i32
    %add3A_281 = vector.broadcast %add3A_280 : i32 to vector<16xi32>
    %add3A_282 = arith.addi %iota3A, %add3A_281 : vector<16xi32>
    %gt3A_283 = arith.cmpf ogt, %add3A_278, %select_n3A_270 : vector<16xf32>
    %select_n3A_284 = arith.select %gt3A_283, %add3A_278, %select_n3A_270 : vector<16xi1>, vector<16xf32>
    %select_n3A_285 = arith.select %gt3A_283, %add3A_282, %select_n3A_271 : vector<16xi1>, vector<16xi32>
    %get3A_286 = arith.constant 320 : index
    %get3A_287 = tpu.vector_load %arg6[%get3A_286] {strides = array<i32>} : memref<512xf32, #tpu.memory_space<vmem>>, vector<16xf32>,
    %get3A_288 = vector.shape_cast %get3A_287 : vector<16xf32> to vector<16xf32>
    %get3A_289 = arith.constant 320 : index
    %get3A_290 = tpu.vector_load %arg7[%get3A_289] {strides = array<i32>} : memref<512xf32, #tpu.memory_space<vmem>>, vector<16xf32>,
    %get3A_291 = vector.shape_cast %get3A_290 : vector<16xf32> to vector<16xf32>
    %add3A_292 = arith.addf %get3A_288, %get3A_291 : vector<16xf32>
    %add3A_293 = arith.constant 320 : i32
    %add3A_294 = arith.addi %mul3A_0, %add3A_293 : i32
    %add3A_295 = vector.broadcast %add3A_294 : i32 to vector<16xi32>
    %add3A_296 = arith.addi %iota3A, %add3A_295 : vector<16xi32>
    %gt3A_297 = arith.cmpf ogt, %add3A_292, %select_n3A_284 : vector<16xf32>
    %select_n3A_298 = arith.select %gt3A_297, %add3A_292, %select_n3A_284 : vector<16xi1>, vector<16xf32>
    %select_n3A_299 = arith.select %gt3A_297, %add3A_296, %select_n3A_285 : vector<16xi1>, vector<16xi32>
    %get3A_300 = arith.constant 336 : index
    %get3A_301 = tpu.vector_load %arg6[%get3A_300] {strides = array<i32>} : memref<512xf32, #tpu.memory_space<vmem>>, vector<16xf32>,
    %get3A_302 = vector.shape_cast %get3A_301 : vector<16xf32> to vector<16xf32>
    %get3A_303 = arith.constant 336 : index
    %get3A_304 = tpu.vector_load %arg7[%get3A_303] {strides = array<i32>} : memref<512xf32, #tpu.memory_space<vmem>>, vector<16xf32>,
    %get3A_305 = vector.shape_cast %get3A_304 : vector<16xf32> to vector<16xf32>
    %add3A_306 = arith.addf %get3A_302, %get3A_305 : vector<16xf32>
    %add3A_307 = arith.constant 336 : i32
    %add3A_308 = arith.addi %mul3A_0, %add3A_307 : i32
    %add3A_309 = vector.broadcast %add3A_308 : i32 to vector<16xi32>
    %add3A_310 = arith.addi %iota3A, %add3A_309 : vector<16xi32>
    %gt3A_311 = arith.cmpf ogt, %add3A_306, %select_n3A_298 : vector<16xf32>
    %select_n3A_312 = arith.select %gt3A_311, %add3A_306, %select_n3A_298 : vector<16xi1>, vector<16xf32>
    %select_n3A_313 = arith.select %gt3A_311, %add3A_310, %select_n3A_299 : vector<16xi1>, vector<16xi32>
    %get3A_314 = arith.constant 352 : index
    %get3A_315 = tpu.vector_load %arg6[%get3A_314] {strides = array<i32>} : memref<512xf32, #tpu.memory_space<vmem>>, vector<16xf32>,
    %get3A_316 = vector.shape_cast %get3A_315 : vector<16xf32> to vector<16xf32>
    %get3A_317 = arith.constant 352 : index
    %get3A_318 = tpu.vector_load %arg7[%get3A_317] {strides = array<i32>} : memref<512xf32, #tpu.memory_space<vmem>>, vector<16xf32>,
    %get3A_319 = vector.shape_cast %get3A_318 : vector<16xf32> to vector<16xf32>
    %add3A_320 = arith.addf %get3A_316, %get3A_319 : vector<16xf32>
    %add3A_321 = arith.constant 352 : i32
    %add3A_322 = arith.addi %mul3A_0, %add3A_321 : i32
    %add3A_323 = vector.broadcast %add3A_322 : i32 to vector<16xi32>
    %add3A_324 = arith.addi %iota3A, %add3A_323 : vector<16xi32>
    %gt3A_325 = arith.cmpf ogt, %add3A_320, %select_n3A_312 : vector<16xf32>
    %select_n3A_326 = arith.select %gt3A_325, %add3A_320, %select_n3A_312 : vector<16xi1>, vector<16xf32>
    %select_n3A_327 = arith.select %gt3A_325, %add3A_324, %select_n3A_313 : vector<16xi1>, vector<16xi32>
    %get3A_328 = arith.constant 368 : index
    %get3A_329 = tpu.vector_load %arg6[%get3A_328] {strides = array<i32>} : memref<512xf32, #tpu.memory_space<vmem>>, vector<16xf32>,
    %get3A_330 = vector.shape_cast %get3A_329 : vector<16xf32> to vector<16xf32>
    %get3A_331 = arith.constant 368 : index
    %get3A_332 = tpu.vector_load %arg7[%get3A_331] {strides = array<i32>} : memref<512xf32, #tpu.memory_space<vmem>>, vector<16xf32>,
    %get3A_333 = vector.shape_cast %get3A_332 : vector<16xf32> to vector<16xf32>
    %add3A_334 = arith.addf %get3A_330, %get3A_333 : vector<16xf32>
    %add3A_335 = arith.constant 368 : i32
    %add3A_336 = arith.addi %mul3A_0, %add3A_335 : i32
    %add3A_337 = vector.broadcast %add3A_336 : i32 to vector<16xi32>
    %add3A_338 = arith.addi %iota3A, %add3A_337 : vector<16xi32>
    %gt3A_339 = arith.cmpf ogt, %add3A_334, %select_n3A_326 : vector<16xf32>
    %select_n3A_340 = arith.select %gt3A_339, %add3A_334, %select_n3A_326 : vector<16xi1>, vector<16xf32>
    %select_n3A_341 = arith.select %gt3A_339, %add3A_338, %select_n3A_327 : vector<16xi1>, vector<16xi32>
    %get3A_342 = arith.constant 384 : index
    %get3A_343 = tpu.vector_load %arg6[%get3A_342] {strides = array<i32>} : memref<512xf32, #tpu.memory_space<vmem>>, vector<16xf32>,
    %get3A_344 = vector.shape_cast %get3A_343 : vector<16xf32> to vector<16xf32>
    %get3A_345 = arith.constant 384 : index
    %get3A_346 = tpu.vector_load %arg7[%get3A_345] {strides = array<i32>} : memref<512xf32, #tpu.memory_space<vmem>>, vector<16xf32>,
    %get3A_347 = vector.shape_cast %get3A_346 : vector<16xf32> to vector<16xf32>
    %add3A_348 = arith.addf %get3A_344, %get3A_347 : vector<16xf32>
    %add3A_349 = arith.constant 384 : i32
    %add3A_350 = arith.addi %mul3A_0, %add3A_349 : i32
    %add3A_351 = vector.broadcast %add3A_350 : i32 to vector<16xi32>
    %add3A_352 = arith.addi %iota3A, %add3A_351 : vector<16xi32>
    %gt3A_353 = arith.cmpf ogt, %add3A_348, %select_n3A_340 : vector<16xf32>
    %select_n3A_354 = arith.select %gt3A_353, %add3A_348, %select_n3A_340 : vector<16xi1>, vector<16xf32>
    %select_n3A_355 = arith.select %gt3A_353, %add3A_352, %select_n3A_341 : vector<16xi1>, vector<16xi32>
    %get3A_356 = arith.constant 400 : index
    %get3A_357 = tpu.vector_load %arg6[%get3A_356] {strides = array<i32>} : memref<512xf32, #tpu.memory_space<vmem>>, vector<16xf32>,
    %get3A_358 = vector.shape_cast %get3A_357 : vector<16xf32> to vector<16xf32>
    %get3A_359 = arith.constant 400 : index
    %get3A_360 = tpu.vector_load %arg7[%get3A_359] {strides = array<i32>} : memref<512xf32, #tpu.memory_space<vmem>>, vector<16xf32>,
    %get3A_361 = vector.shape_cast %get3A_360 : vector<16xf32> to vector<16xf32>
    %add3A_362 = arith.addf %get3A_358, %get3A_361 : vector<16xf32>
    %add3A_363 = arith.constant 400 : i32
    %add3A_364 = arith.addi %mul3A_0, %add3A_363 : i32
    %add3A_365 = vector.broadcast %add3A_364 : i32 to vector<16xi32>
    %add3A_366 = arith.addi %iota3A, %add3A_365 : vector<16xi32>
    %gt3A_367 = arith.cmpf ogt, %add3A_362, %select_n3A_354 : vector<16xf32>
    %select_n3A_368 = arith.select %gt3A_367, %add3A_362, %select_n3A_354 : vector<16xi1>, vector<16xf32>
    %select_n3A_369 = arith.select %gt3A_367, %add3A_366, %select_n3A_355 : vector<16xi1>, vector<16xi32>
    %get3A_370 = arith.constant 416 : index
    %get3A_371 = tpu.vector_load %arg6[%get3A_370] {strides = array<i32>} : memref<512xf32, #tpu.memory_space<vmem>>, vector<16xf32>,
    %get3A_372 = vector.shape_cast %get3A_371 : vector<16xf32> to vector<16xf32>
    %get3A_373 = arith.constant 416 : index
    %get3A_374 = tpu.vector_load %arg7[%get3A_373] {strides = array<i32>} : memref<512xf32, #tpu.memory_space<vmem>>, vector<16xf32>,
    %get3A_375 = vector.shape_cast %get3A_374 : vector<16xf32> to vector<16xf32>
    %add3A_376 = arith.addf %get3A_372, %get3A_375 : vector<16xf32>
    %add3A_377 = arith.constant 416 : i32
    %add3A_378 = arith.addi %mul3A_0, %add3A_377 : i32
    %add3A_379 = vector.broadcast %add3A_378 : i32 to vector<16xi32>
    %add3A_380 = arith.addi %iota3A, %add3A_379 : vector<16xi32>
    %gt3A_381 = arith.cmpf ogt, %add3A_376, %select_n3A_368 : vector<16xf32>
    %select_n3A_382 = arith.select %gt3A_381, %add3A_376, %select_n3A_368 : vector<16xi1>, vector<16xf32>
    %select_n3A_383 = arith.select %gt3A_381, %add3A_380, %select_n3A_369 : vector<16xi1>, vector<16xi32>
    %get3A_384 = arith.constant 432 : index
    %get3A_385 = tpu.vector_load %arg6[%get3A_384] {strides = array<i32>} : memref<512xf32, #tpu.memory_space<vmem>>, vector<16xf32>,
    %get3A_386 = vector.shape_cast %get3A_385 : vector<16xf32> to vector<16xf32>
    %get3A_387 = arith.constant 432 : index
    %get3A_388 = tpu.vector_load %arg7[%get3A_387] {strides = array<i32>} : memref<512xf32, #tpu.memory_space<vmem>>, vector<16xf32>,
    %get3A_389 = vector.shape_cast %get3A_388 : vector<16xf32> to vector<16xf32>
    %add3A_390 = arith.addf %get3A_386, %get3A_389 : vector<16xf32>
    %add3A_391 = arith.constant 432 : i32
    %add3A_392 = arith.addi %mul3A_0, %add3A_391 : i32
    %add3A_393 = vector.broadcast %add3A_392 : i32 to vector<16xi32>
    %add3A_394 = arith.addi %iota3A, %add3A_393 : vector<16xi32>
    %gt3A_395 = arith.cmpf ogt, %add3A_390, %select_n3A_382 : vector<16xf32>
    %select_n3A_396 = arith.select %gt3A_395, %add3A_390, %select_n3A_382 : vector<16xi1>, vector<16xf32>
    %select_n3A_397 = arith.select %gt3A_395, %add3A_394, %select_n3A_383 : vector<16xi1>, vector<16xi32>
    %get3A_398 = arith.constant 448 : index
    %get3A_399 = tpu.vector_load %arg6[%get3A_398] {strides = array<i32>} : memref<512xf32, #tpu.memory_space<vmem>>, vector<16xf32>,
    %get3A_400 = vector.shape_cast %get3A_399 : vector<16xf32> to vector<16xf32>
    %get3A_401 = arith.constant 448 : index
    %get3A_402 = tpu.vector_load %arg7[%get3A_401] {strides = array<i32>} : memref<512xf32, #tpu.memory_space<vmem>>, vector<16xf32>,
    %get3A_403 = vector.shape_cast %get3A_402 : vector<16xf32> to vector<16xf32>
    %add3A_404 = arith.addf %get3A_400, %get3A_403 : vector<16xf32>
    %add3A_405 = arith.constant 448 : i32
    %add3A_406 = arith.addi %mul3A_0, %add3A_405 : i32
    %add3A_407 = vector.broadcast %add3A_406 : i32 to vector<16xi32>
    %add3A_408 = arith.addi %iota3A, %add3A_407 : vector<16xi32>
    %gt3A_409 = arith.cmpf ogt, %add3A_404, %select_n3A_396 : vector<16xf32>
    %select_n3A_410 = arith.select %gt3A_409, %add3A_404, %select_n3A_396 : vector<16xi1>, vector<16xf32>
    %select_n3A_411 = arith.select %gt3A_409, %add3A_408, %select_n3A_397 : vector<16xi1>, vector<16xi32>
    %get3A_412 = arith.constant 464 : index
    %get3A_413 = tpu.vector_load %arg6[%get3A_412] {strides = array<i32>} : memref<512xf32, #tpu.memory_space<vmem>>, vector<16xf32>,
    %get3A_414 = vector.shape_cast %get3A_413 : vector<16xf32> to vector<16xf32>
    %get3A_415 = arith.constant 464 : index
    %get3A_416 = tpu.vector_load %arg7[%get3A_415] {strides = array<i32>} : memref<512xf32, #tpu.memory_space<vmem>>, vector<16xf32>,
    %get3A_417 = vector.shape_cast %get3A_416 : vector<16xf32> to vector<16xf32>
    %add3A_418 = arith.addf %get3A_414, %get3A_417 : vector<16xf32>
    %add3A_419 = arith.constant 464 : i32
    %add3A_420 = arith.addi %mul3A_0, %add3A_419 : i32
    %add3A_421 = vector.broadcast %add3A_420 : i32 to vector<16xi32>
    %add3A_422 = arith.addi %iota3A, %add3A_421 : vector<16xi32>
    %gt3A_423 = arith.cmpf ogt, %add3A_418, %select_n3A_410 : vector<16xf32>
    %select_n3A_424 = arith.select %gt3A_423, %add3A_418, %select_n3A_410 : vector<16xi1>, vector<16xf32>
    %select_n3A_425 = arith.select %gt3A_423, %add3A_422, %select_n3A_411 : vector<16xi1>, vector<16xi32>
    %get3A_426 = arith.constant 480 : index
    %get3A_427 = tpu.vector_load %arg6[%get3A_426] {strides = array<i32>} : memref<512xf32, #tpu.memory_space<vmem>>, vector<16xf32>,
    %get3A_428 = vector.shape_cast %get3A_427 : vector<16xf32> to vector<16xf32>
    %get3A_429 = arith.constant 480 : index
    %get3A_430 = tpu.vector_load %arg7[%get3A_429] {strides = array<i32>} : memref<512xf32, #tpu.memory_space<vmem>>, vector<16xf32>,
    %get3A_431 = vector.shape_cast %get3A_430 : vector<16xf32> to vector<16xf32>
    %add3A_432 = arith.addf %get3A_428, %get3A_431 : vector<16xf32>
    %add3A_433 = arith.constant 480 : i32
    %add3A_434 = arith.addi %mul3A_0, %add3A_433 : i32
    %add3A_435 = vector.broadcast %add3A_434 : i32 to vector<16xi32>
    %add3A_436 = arith.addi %iota3A, %add3A_435 : vector<16xi32>
    %gt3A_437 = arith.cmpf ogt, %add3A_432, %select_n3A_424 : vector<16xf32>
    %select_n3A_438 = arith.select %gt3A_437, %add3A_432, %select_n3A_424 : vector<16xi1>, vector<16xf32>
    %select_n3A_439 = arith.select %gt3A_437, %add3A_436, %select_n3A_425 : vector<16xi1>, vector<16xi32>
    %get3A_440 = arith.constant 496 : index
    %get3A_441 = tpu.vector_load %arg6[%get3A_440] {strides = array<i32>} : memref<512xf32, #tpu.memory_space<vmem>>, vector<16xf32>,
    %get3A_442 = vector.shape_cast %get3A_441 : vector<16xf32> to vector<16xf32>
    %get3A_443 = arith.constant 496 : index
    %get3A_444 = tpu.vector_load %arg7[%get3A_443] {strides = array<i32>} : memref<512xf32, #tpu.memory_space<vmem>>, vector<16xf32>,
    %get3A_445 = vector.shape_cast %get3A_444 : vector<16xf32> to vector<16xf32>
    %add3A_446 = arith.addf %get3A_442, %get3A_445 : vector<16xf32>
    %add3A_447 = arith.constant 496 : i32
    %add3A_448 = arith.addi %mul3A_0, %add3A_447 : i32
    %add3A_449 = vector.broadcast %add3A_448 : i32 to vector<16xi32>
    %add3A_450 = arith.addi %iota3A, %add3A_449 : vector<16xi32>
    %gt3A_451 = arith.cmpf ogt, %add3A_446, %select_n3A_438 : vector<16xf32>
    %select_n3A_452 = arith.select %gt3A_451, %add3A_446, %select_n3A_438 : vector<16xi1>, vector<16xf32>
    %select_n3A_453 = arith.select %gt3A_451, %add3A_450, %select_n3A_439 : vector<16xi1>, vector<16xi32>
    %swap3A = arith.constant 0 : index
    %swap3A_454 = tpu.vector_load %arg8[%swap3A] {strides = array<i32>} : memref<32xf32, #tpu.memory_space<vmem>>, vector<16xf32>,
    %swap3A_455 = vector.shape_cast %swap3A_454 : vector<16xf32> to vector<16xf32>
    %swap3A_456 = vector.shape_cast %select_n3A_452 : vector<16xf32> to vector<16xf32>
    tpu.vector_store %arg8[%swap3A], %swap3A_456 {strides = array<i32>} : memref<32xf32, #tpu.memory_space<vmem>>, vector<16xf32>,
    %convert_element_type3A = arith.sitofp %select_n3A_453 : vector<16xi32> to vector<16xf32>
    %swap3A_457 = arith.constant 16 : index
    %swap3A_458 = tpu.vector_load %arg8[%swap3A_457] {strides = array<i32>} : memref<32xf32, #tpu.memory_space<vmem>>, vector<16xf32>,
    %swap3A_459 = vector.shape_cast %swap3A_458 : vector<16xf32> to vector<16xf32>
    %swap3A_460 = vector.shape_cast %convert_element_type3A : vector<16xf32> to vector<16xf32>
    tpu.vector_store %arg8[%swap3A_457], %swap3A_460 {strides = array<i32>} : memref<32xf32, #tpu.memory_space<vmem>>, vector<16xf32>,
    %mul3A_461 = arith.constant 32 : i32
    %mul3A_462 = arith.muli %arg1, %mul3A_461 : i32
    "tpu.region"() ({
      %run_scoped3A = tpu.sem_alloc : memref<!tpu.dma_semaphore, #tpu.memory_space<semaphore_mem>>
      %dma_start3A_466 = tpu.memref_slice %arg10[%mul3A_462] : memref<512xf32, #tpu.memory_space<vmem_shared>> -> memref<32xf32, #tpu.memory_space<vmem_shared>>
      %dma_start3A_467 = tpu.memref_slice %arg10[%mul3A_462] : memref<512xf32, #tpu.memory_space<vmem_shared>> -> memref<32xf32, #tpu.memory_space<vmem_shared>>
      tpu.enqueue_dma source(%arg8 : memref<32xf32, #tpu.memory_space<vmem>>) target(%dma_start3A_467 : memref<32xf32, #tpu.memory_space<vmem_shared>>) target_semaphore(%run_scoped3A : memref<!tpu.dma_semaphore, #tpu.memory_space<semaphore_mem>>)
      %dma_wait3A_468 = tpu.memref_slice %arg10[%mul3A_462] : memref<512xf32, #tpu.memory_space<vmem_shared>> -> memref<32xf32, #tpu.memory_space<vmem_shared>>
      %dma_wait3A_469 = tpu.memref_slice %arg10[%mul3A_462] : memref<512xf32, #tpu.memory_space<vmem_shared>> -> memref<32xf32, #tpu.memory_space<vmem_shared>>
      tpu.wait_dma2 semaphore(%run_scoped3A : memref<!tpu.dma_semaphore, #tpu.memory_space<semaphore_mem>>) src(%arg8 : memref<32xf32, #tpu.memory_space<vmem>>) dst(%dma_wait3A_469 : memref<32xf32, #tpu.memory_space<vmem_shared>>)
      tpu.yield
    }) : () -> ()
    %barrier3A = arith.constant 0 : index
    tpu.barrier barrier_id(%barrier3A)
    %eq3A = arith.constant 0 : i32
    %eq3A_463 = arith.cmpi eq, %arg1, %eq3A : i32
    %convert_element_type3A_464 = arith.extui %eq3A_463 : i1 to i32
    %cond3A = arith.constant 0 : i32
    %cond3A_465 = arith.cmpi ne, %convert_element_type3A_464, %cond3A : i32
    scf.if %cond3A_465 {
      "tpu.region"() ({
        %run_scoped3A = tpu.sem_alloc : memref<!tpu.dma_semaphore, #tpu.memory_space<semaphore_mem>>
        tpu.enqueue_dma source(%arg10 : memref<512xf32, #tpu.memory_space<vmem_shared>>) target(%arg11 : memref<512xf32, #tpu.memory_space<vmem>>) target_semaphore(%run_scoped3A : memref<!tpu.dma_semaphore, #tpu.memory_space<semaphore_mem>>)
        tpu.wait_dma2 semaphore(%run_scoped3A : memref<!tpu.dma_semaphore, #tpu.memory_space<semaphore_mem>>) src(%arg10 : memref<512xf32, #tpu.memory_space<vmem_shared>>) dst(%arg11 : memref<512xf32, #tpu.memory_space<vmem>>)
        tpu.yield
      }) : () -> ()
      %get3A_466 = arith.constant 0 : index
      %get3A_467 = tpu.vector_load %arg11[%get3A_466] {strides = array<i32>} : memref<512xf32, #tpu.memory_space<vmem>>, vector<16xf32>,
      %get3A_468 = vector.shape_cast %get3A_467 : vector<16xf32> to vector<16xf32>
      %get3A_469 = arith.constant 16 : index
      %get3A_470 = tpu.vector_load %arg11[%get3A_469] {strides = array<i32>} : memref<512xf32, #tpu.memory_space<vmem>>, vector<16xf32>,
      %get3A_471 = vector.shape_cast %get3A_470 : vector<16xf32> to vector<16xf32>
      %convert_element_type3A_472 = arith.fptosi %get3A_471 : vector<16xf32> to vector<16xi32>
      %get3A_473 = arith.constant 32 : index
      %get3A_474 = tpu.vector_load %arg11[%get3A_473] {strides = array<i32>} : memref<512xf32, #tpu.memory_space<vmem>>, vector<16xf32>,
      %get3A_475 = vector.shape_cast %get3A_474 : vector<16xf32> to vector<16xf32>
      %get3A_476 = arith.constant 48 : index
      %get3A_477 = tpu.vector_load %arg11[%get3A_476] {strides = array<i32>} : memref<512xf32, #tpu.memory_space<vmem>>, vector<16xf32>,
      %get3A_478 = vector.shape_cast %get3A_477 : vector<16xf32> to vector<16xf32>
      %convert_element_type3A_479 = arith.fptosi %get3A_478 : vector<16xf32> to vector<16xi32>
      %gt3A_480 = arith.cmpf ogt, %get3A_475, %get3A_468 : vector<16xf32>
      %eq3A_481 = arith.cmpf oeq, %get3A_475, %get3A_468 : vector<16xf32>
      %lt3A = arith.cmpi slt, %convert_element_type3A_479, %convert_element_type3A_472 : vector<16xi32>
      %and3A = arith.andi %eq3A_481, %lt3A : vector<16xi1>
      %or3A = arith.ori %gt3A_480, %and3A : vector<16xi1>
      %select_n3A_482 = arith.select %or3A, %get3A_475, %get3A_468 : vector<16xi1>, vector<16xf32>
      %select_n3A_483 = arith.select %or3A, %convert_element_type3A_479, %convert_element_type3A_472 : vector<16xi1>, vector<16xi32>
      %get3A_484 = arith.constant 64 : index
      %get3A_485 = tpu.vector_load %arg11[%get3A_484] {strides = array<i32>} : memref<512xf32, #tpu.memory_space<vmem>>, vector<16xf32>,
      %get3A_486 = vector.shape_cast %get3A_485 : vector<16xf32> to vector<16xf32>
      %get3A_487 = arith.constant 80 : index
      %get3A_488 = tpu.vector_load %arg11[%get3A_487] {strides = array<i32>} : memref<512xf32, #tpu.memory_space<vmem>>, vector<16xf32>,
      %get3A_489 = vector.shape_cast %get3A_488 : vector<16xf32> to vector<16xf32>
      %convert_element_type3A_490 = arith.fptosi %get3A_489 : vector<16xf32> to vector<16xi32>
      %gt3A_491 = arith.cmpf ogt, %get3A_486, %select_n3A_482 : vector<16xf32>
      %eq3A_492 = arith.cmpf oeq, %get3A_486, %select_n3A_482 : vector<16xf32>
      %lt3A_493 = arith.cmpi slt, %convert_element_type3A_490, %select_n3A_483 : vector<16xi32>
      %and3A_494 = arith.andi %eq3A_492, %lt3A_493 : vector<16xi1>
      %or3A_495 = arith.ori %gt3A_491, %and3A_494 : vector<16xi1>
      %select_n3A_496 = arith.select %or3A_495, %get3A_486, %select_n3A_482 : vector<16xi1>, vector<16xf32>
      %select_n3A_497 = arith.select %or3A_495, %convert_element_type3A_490, %select_n3A_483 : vector<16xi1>, vector<16xi32>
      %get3A_498 = arith.constant 96 : index
      %get3A_499 = tpu.vector_load %arg11[%get3A_498] {strides = array<i32>} : memref<512xf32, #tpu.memory_space<vmem>>, vector<16xf32>,
      %get3A_500 = vector.shape_cast %get3A_499 : vector<16xf32> to vector<16xf32>
      %get3A_501 = arith.constant 112 : index
      %get3A_502 = tpu.vector_load %arg11[%get3A_501] {strides = array<i32>} : memref<512xf32, #tpu.memory_space<vmem>>, vector<16xf32>,
      %get3A_503 = vector.shape_cast %get3A_502 : vector<16xf32> to vector<16xf32>
      %convert_element_type3A_504 = arith.fptosi %get3A_503 : vector<16xf32> to vector<16xi32>
      %gt3A_505 = arith.cmpf ogt, %get3A_500, %select_n3A_496 : vector<16xf32>
      %eq3A_506 = arith.cmpf oeq, %get3A_500, %select_n3A_496 : vector<16xf32>
      %lt3A_507 = arith.cmpi slt, %convert_element_type3A_504, %select_n3A_497 : vector<16xi32>
      %and3A_508 = arith.andi %eq3A_506, %lt3A_507 : vector<16xi1>
      %or3A_509 = arith.ori %gt3A_505, %and3A_508 : vector<16xi1>
      %select_n3A_510 = arith.select %or3A_509, %get3A_500, %select_n3A_496 : vector<16xi1>, vector<16xf32>
      %select_n3A_511 = arith.select %or3A_509, %convert_element_type3A_504, %select_n3A_497 : vector<16xi1>, vector<16xi32>
      %get3A_512 = arith.constant 128 : index
      %get3A_513 = tpu.vector_load %arg11[%get3A_512] {strides = array<i32>} : memref<512xf32, #tpu.memory_space<vmem>>, vector<16xf32>,
      %get3A_514 = vector.shape_cast %get3A_513 : vector<16xf32> to vector<16xf32>
      %get3A_515 = arith.constant 144 : index
      %get3A_516 = tpu.vector_load %arg11[%get3A_515] {strides = array<i32>} : memref<512xf32, #tpu.memory_space<vmem>>, vector<16xf32>,
      %get3A_517 = vector.shape_cast %get3A_516 : vector<16xf32> to vector<16xf32>
      %convert_element_type3A_518 = arith.fptosi %get3A_517 : vector<16xf32> to vector<16xi32>
      %gt3A_519 = arith.cmpf ogt, %get3A_514, %select_n3A_510 : vector<16xf32>
      %eq3A_520 = arith.cmpf oeq, %get3A_514, %select_n3A_510 : vector<16xf32>
      %lt3A_521 = arith.cmpi slt, %convert_element_type3A_518, %select_n3A_511 : vector<16xi32>
      %and3A_522 = arith.andi %eq3A_520, %lt3A_521 : vector<16xi1>
      %or3A_523 = arith.ori %gt3A_519, %and3A_522 : vector<16xi1>
      %select_n3A_524 = arith.select %or3A_523, %get3A_514, %select_n3A_510 : vector<16xi1>, vector<16xf32>
      %select_n3A_525 = arith.select %or3A_523, %convert_element_type3A_518, %select_n3A_511 : vector<16xi1>, vector<16xi32>
      %get3A_526 = arith.constant 160 : index
      %get3A_527 = tpu.vector_load %arg11[%get3A_526] {strides = array<i32>} : memref<512xf32, #tpu.memory_space<vmem>>, vector<16xf32>,
      %get3A_528 = vector.shape_cast %get3A_527 : vector<16xf32> to vector<16xf32>
      %get3A_529 = arith.constant 176 : index
      %get3A_530 = tpu.vector_load %arg11[%get3A_529] {strides = array<i32>} : memref<512xf32, #tpu.memory_space<vmem>>, vector<16xf32>,
      %get3A_531 = vector.shape_cast %get3A_530 : vector<16xf32> to vector<16xf32>
      %convert_element_type3A_532 = arith.fptosi %get3A_531 : vector<16xf32> to vector<16xi32>
      %gt3A_533 = arith.cmpf ogt, %get3A_528, %select_n3A_524 : vector<16xf32>
      %eq3A_534 = arith.cmpf oeq, %get3A_528, %select_n3A_524 : vector<16xf32>
      %lt3A_535 = arith.cmpi slt, %convert_element_type3A_532, %select_n3A_525 : vector<16xi32>
      %and3A_536 = arith.andi %eq3A_534, %lt3A_535 : vector<16xi1>
      %or3A_537 = arith.ori %gt3A_533, %and3A_536 : vector<16xi1>
      %select_n3A_538 = arith.select %or3A_537, %get3A_528, %select_n3A_524 : vector<16xi1>, vector<16xf32>
      %select_n3A_539 = arith.select %or3A_537, %convert_element_type3A_532, %select_n3A_525 : vector<16xi1>, vector<16xi32>
      %get3A_540 = arith.constant 192 : index
      %get3A_541 = tpu.vector_load %arg11[%get3A_540] {strides = array<i32>} : memref<512xf32, #tpu.memory_space<vmem>>, vector<16xf32>,
      %get3A_542 = vector.shape_cast %get3A_541 : vector<16xf32> to vector<16xf32>
      %get3A_543 = arith.constant 208 : index
      %get3A_544 = tpu.vector_load %arg11[%get3A_543] {strides = array<i32>} : memref<512xf32, #tpu.memory_space<vmem>>, vector<16xf32>,
      %get3A_545 = vector.shape_cast %get3A_544 : vector<16xf32> to vector<16xf32>
      %convert_element_type3A_546 = arith.fptosi %get3A_545 : vector<16xf32> to vector<16xi32>
      %gt3A_547 = arith.cmpf ogt, %get3A_542, %select_n3A_538 : vector<16xf32>
      %eq3A_548 = arith.cmpf oeq, %get3A_542, %select_n3A_538 : vector<16xf32>
      %lt3A_549 = arith.cmpi slt, %convert_element_type3A_546, %select_n3A_539 : vector<16xi32>
      %and3A_550 = arith.andi %eq3A_548, %lt3A_549 : vector<16xi1>
      %or3A_551 = arith.ori %gt3A_547, %and3A_550 : vector<16xi1>
      %select_n3A_552 = arith.select %or3A_551, %get3A_542, %select_n3A_538 : vector<16xi1>, vector<16xf32>
      %select_n3A_553 = arith.select %or3A_551, %convert_element_type3A_546, %select_n3A_539 : vector<16xi1>, vector<16xi32>
      %get3A_554 = arith.constant 224 : index
      %get3A_555 = tpu.vector_load %arg11[%get3A_554] {strides = array<i32>} : memref<512xf32, #tpu.memory_space<vmem>>, vector<16xf32>,
      %get3A_556 = vector.shape_cast %get3A_555 : vector<16xf32> to vector<16xf32>
      %get3A_557 = arith.constant 240 : index
      %get3A_558 = tpu.vector_load %arg11[%get3A_557] {strides = array<i32>} : memref<512xf32, #tpu.memory_space<vmem>>, vector<16xf32>,
      %get3A_559 = vector.shape_cast %get3A_558 : vector<16xf32> to vector<16xf32>
      %convert_element_type3A_560 = arith.fptosi %get3A_559 : vector<16xf32> to vector<16xi32>
      %gt3A_561 = arith.cmpf ogt, %get3A_556, %select_n3A_552 : vector<16xf32>
      %eq3A_562 = arith.cmpf oeq, %get3A_556, %select_n3A_552 : vector<16xf32>
      %lt3A_563 = arith.cmpi slt, %convert_element_type3A_560, %select_n3A_553 : vector<16xi32>
      %and3A_564 = arith.andi %eq3A_562, %lt3A_563 : vector<16xi1>
      %or3A_565 = arith.ori %gt3A_561, %and3A_564 : vector<16xi1>
      %select_n3A_566 = arith.select %or3A_565, %get3A_556, %select_n3A_552 : vector<16xi1>, vector<16xf32>
      %select_n3A_567 = arith.select %or3A_565, %convert_element_type3A_560, %select_n3A_553 : vector<16xi1>, vector<16xi32>
      %get3A_568 = arith.constant 256 : index
      %get3A_569 = tpu.vector_load %arg11[%get3A_568] {strides = array<i32>} : memref<512xf32, #tpu.memory_space<vmem>>, vector<16xf32>,
      %get3A_570 = vector.shape_cast %get3A_569 : vector<16xf32> to vector<16xf32>
      %get3A_571 = arith.constant 272 : index
      %get3A_572 = tpu.vector_load %arg11[%get3A_571] {strides = array<i32>} : memref<512xf32, #tpu.memory_space<vmem>>, vector<16xf32>,
      %get3A_573 = vector.shape_cast %get3A_572 : vector<16xf32> to vector<16xf32>
      %convert_element_type3A_574 = arith.fptosi %get3A_573 : vector<16xf32> to vector<16xi32>
      %gt3A_575 = arith.cmpf ogt, %get3A_570, %select_n3A_566 : vector<16xf32>
      %eq3A_576 = arith.cmpf oeq, %get3A_570, %select_n3A_566 : vector<16xf32>
      %lt3A_577 = arith.cmpi slt, %convert_element_type3A_574, %select_n3A_567 : vector<16xi32>
      %and3A_578 = arith.andi %eq3A_576, %lt3A_577 : vector<16xi1>
      %or3A_579 = arith.ori %gt3A_575, %and3A_578 : vector<16xi1>
      %select_n3A_580 = arith.select %or3A_579, %get3A_570, %select_n3A_566 : vector<16xi1>, vector<16xf32>
      %select_n3A_581 = arith.select %or3A_579, %convert_element_type3A_574, %select_n3A_567 : vector<16xi1>, vector<16xi32>
      %get3A_582 = arith.constant 288 : index
      %get3A_583 = tpu.vector_load %arg11[%get3A_582] {strides = array<i32>} : memref<512xf32, #tpu.memory_space<vmem>>, vector<16xf32>,
      %get3A_584 = vector.shape_cast %get3A_583 : vector<16xf32> to vector<16xf32>
      %get3A_585 = arith.constant 304 : index
      %get3A_586 = tpu.vector_load %arg11[%get3A_585] {strides = array<i32>} : memref<512xf32, #tpu.memory_space<vmem>>, vector<16xf32>,
      %get3A_587 = vector.shape_cast %get3A_586 : vector<16xf32> to vector<16xf32>
      %convert_element_type3A_588 = arith.fptosi %get3A_587 : vector<16xf32> to vector<16xi32>
      %gt3A_589 = arith.cmpf ogt, %get3A_584, %select_n3A_580 : vector<16xf32>
      %eq3A_590 = arith.cmpf oeq, %get3A_584, %select_n3A_580 : vector<16xf32>
      %lt3A_591 = arith.cmpi slt, %convert_element_type3A_588, %select_n3A_581 : vector<16xi32>
      %and3A_592 = arith.andi %eq3A_590, %lt3A_591 : vector<16xi1>
      %or3A_593 = arith.ori %gt3A_589, %and3A_592 : vector<16xi1>
      %select_n3A_594 = arith.select %or3A_593, %get3A_584, %select_n3A_580 : vector<16xi1>, vector<16xf32>
      %select_n3A_595 = arith.select %or3A_593, %convert_element_type3A_588, %select_n3A_581 : vector<16xi1>, vector<16xi32>
      %get3A_596 = arith.constant 320 : index
      %get3A_597 = tpu.vector_load %arg11[%get3A_596] {strides = array<i32>} : memref<512xf32, #tpu.memory_space<vmem>>, vector<16xf32>,
      %get3A_598 = vector.shape_cast %get3A_597 : vector<16xf32> to vector<16xf32>
      %get3A_599 = arith.constant 336 : index
      %get3A_600 = tpu.vector_load %arg11[%get3A_599] {strides = array<i32>} : memref<512xf32, #tpu.memory_space<vmem>>, vector<16xf32>,
      %get3A_601 = vector.shape_cast %get3A_600 : vector<16xf32> to vector<16xf32>
      %convert_element_type3A_602 = arith.fptosi %get3A_601 : vector<16xf32> to vector<16xi32>
      %gt3A_603 = arith.cmpf ogt, %get3A_598, %select_n3A_594 : vector<16xf32>
      %eq3A_604 = arith.cmpf oeq, %get3A_598, %select_n3A_594 : vector<16xf32>
      %lt3A_605 = arith.cmpi slt, %convert_element_type3A_602, %select_n3A_595 : vector<16xi32>
      %and3A_606 = arith.andi %eq3A_604, %lt3A_605 : vector<16xi1>
      %or3A_607 = arith.ori %gt3A_603, %and3A_606 : vector<16xi1>
      %select_n3A_608 = arith.select %or3A_607, %get3A_598, %select_n3A_594 : vector<16xi1>, vector<16xf32>
      %select_n3A_609 = arith.select %or3A_607, %convert_element_type3A_602, %select_n3A_595 : vector<16xi1>, vector<16xi32>
      %get3A_610 = arith.constant 352 : index
      %get3A_611 = tpu.vector_load %arg11[%get3A_610] {strides = array<i32>} : memref<512xf32, #tpu.memory_space<vmem>>, vector<16xf32>,
      %get3A_612 = vector.shape_cast %get3A_611 : vector<16xf32> to vector<16xf32>
      %get3A_613 = arith.constant 368 : index
      %get3A_614 = tpu.vector_load %arg11[%get3A_613] {strides = array<i32>} : memref<512xf32, #tpu.memory_space<vmem>>, vector<16xf32>,
      %get3A_615 = vector.shape_cast %get3A_614 : vector<16xf32> to vector<16xf32>
      %convert_element_type3A_616 = arith.fptosi %get3A_615 : vector<16xf32> to vector<16xi32>
      %gt3A_617 = arith.cmpf ogt, %get3A_612, %select_n3A_608 : vector<16xf32>
      %eq3A_618 = arith.cmpf oeq, %get3A_612, %select_n3A_608 : vector<16xf32>
      %lt3A_619 = arith.cmpi slt, %convert_element_type3A_616, %select_n3A_609 : vector<16xi32>
      %and3A_620 = arith.andi %eq3A_618, %lt3A_619 : vector<16xi1>
      %or3A_621 = arith.ori %gt3A_617, %and3A_620 : vector<16xi1>
      %select_n3A_622 = arith.select %or3A_621, %get3A_612, %select_n3A_608 : vector<16xi1>, vector<16xf32>
      %select_n3A_623 = arith.select %or3A_621, %convert_element_type3A_616, %select_n3A_609 : vector<16xi1>, vector<16xi32>
      %get3A_624 = arith.constant 384 : index
      %get3A_625 = tpu.vector_load %arg11[%get3A_624] {strides = array<i32>} : memref<512xf32, #tpu.memory_space<vmem>>, vector<16xf32>,
      %get3A_626 = vector.shape_cast %get3A_625 : vector<16xf32> to vector<16xf32>
      %get3A_627 = arith.constant 400 : index
      %get3A_628 = tpu.vector_load %arg11[%get3A_627] {strides = array<i32>} : memref<512xf32, #tpu.memory_space<vmem>>, vector<16xf32>,
      %get3A_629 = vector.shape_cast %get3A_628 : vector<16xf32> to vector<16xf32>
      %convert_element_type3A_630 = arith.fptosi %get3A_629 : vector<16xf32> to vector<16xi32>
      %gt3A_631 = arith.cmpf ogt, %get3A_626, %select_n3A_622 : vector<16xf32>
      %eq3A_632 = arith.cmpf oeq, %get3A_626, %select_n3A_622 : vector<16xf32>
      %lt3A_633 = arith.cmpi slt, %convert_element_type3A_630, %select_n3A_623 : vector<16xi32>
      %and3A_634 = arith.andi %eq3A_632, %lt3A_633 : vector<16xi1>
      %or3A_635 = arith.ori %gt3A_631, %and3A_634 : vector<16xi1>
      %select_n3A_636 = arith.select %or3A_635, %get3A_626, %select_n3A_622 : vector<16xi1>, vector<16xf32>
      %select_n3A_637 = arith.select %or3A_635, %convert_element_type3A_630, %select_n3A_623 : vector<16xi1>, vector<16xi32>
      %get3A_638 = arith.constant 416 : index
      %get3A_639 = tpu.vector_load %arg11[%get3A_638] {strides = array<i32>} : memref<512xf32, #tpu.memory_space<vmem>>, vector<16xf32>,
      %get3A_640 = vector.shape_cast %get3A_639 : vector<16xf32> to vector<16xf32>
      %get3A_641 = arith.constant 432 : index
      %get3A_642 = tpu.vector_load %arg11[%get3A_641] {strides = array<i32>} : memref<512xf32, #tpu.memory_space<vmem>>, vector<16xf32>,
      %get3A_643 = vector.shape_cast %get3A_642 : vector<16xf32> to vector<16xf32>
      %convert_element_type3A_644 = arith.fptosi %get3A_643 : vector<16xf32> to vector<16xi32>
      %gt3A_645 = arith.cmpf ogt, %get3A_640, %select_n3A_636 : vector<16xf32>
      %eq3A_646 = arith.cmpf oeq, %get3A_640, %select_n3A_636 : vector<16xf32>
      %lt3A_647 = arith.cmpi slt, %convert_element_type3A_644, %select_n3A_637 : vector<16xi32>
      %and3A_648 = arith.andi %eq3A_646, %lt3A_647 : vector<16xi1>
      %or3A_649 = arith.ori %gt3A_645, %and3A_648 : vector<16xi1>
      %select_n3A_650 = arith.select %or3A_649, %get3A_640, %select_n3A_636 : vector<16xi1>, vector<16xf32>
      %select_n3A_651 = arith.select %or3A_649, %convert_element_type3A_644, %select_n3A_637 : vector<16xi1>, vector<16xi32>
      %get3A_652 = arith.constant 448 : index
      %get3A_653 = tpu.vector_load %arg11[%get3A_652] {strides = array<i32>} : memref<512xf32, #tpu.memory_space<vmem>>, vector<16xf32>,
      %get3A_654 = vector.shape_cast %get3A_653 : vector<16xf32> to vector<16xf32>
      %get3A_655 = arith.constant 464 : index
      %get3A_656 = tpu.vector_load %arg11[%get3A_655] {strides = array<i32>} : memref<512xf32, #tpu.memory_space<vmem>>, vector<16xf32>,
      %get3A_657 = vector.shape_cast %get3A_656 : vector<16xf32> to vector<16xf32>
      %convert_element_type3A_658 = arith.fptosi %get3A_657 : vector<16xf32> to vector<16xi32>
      %gt3A_659 = arith.cmpf ogt, %get3A_654, %select_n3A_650 : vector<16xf32>
      %eq3A_660 = arith.cmpf oeq, %get3A_654, %select_n3A_650 : vector<16xf32>
      %lt3A_661 = arith.cmpi slt, %convert_element_type3A_658, %select_n3A_651 : vector<16xi32>
      %and3A_662 = arith.andi %eq3A_660, %lt3A_661 : vector<16xi1>
      %or3A_663 = arith.ori %gt3A_659, %and3A_662 : vector<16xi1>
      %select_n3A_664 = arith.select %or3A_663, %get3A_654, %select_n3A_650 : vector<16xi1>, vector<16xf32>
      %select_n3A_665 = arith.select %or3A_663, %convert_element_type3A_658, %select_n3A_651 : vector<16xi1>, vector<16xi32>
      %get3A_666 = arith.constant 480 : index
      %get3A_667 = tpu.vector_load %arg11[%get3A_666] {strides = array<i32>} : memref<512xf32, #tpu.memory_space<vmem>>, vector<16xf32>,
      %get3A_668 = vector.shape_cast %get3A_667 : vector<16xf32> to vector<16xf32>
      %get3A_669 = arith.constant 496 : index
      %get3A_670 = tpu.vector_load %arg11[%get3A_669] {strides = array<i32>} : memref<512xf32, #tpu.memory_space<vmem>>, vector<16xf32>,
      %get3A_671 = vector.shape_cast %get3A_670 : vector<16xf32> to vector<16xf32>
      %convert_element_type3A_672 = arith.fptosi %get3A_671 : vector<16xf32> to vector<16xi32>
      %gt3A_673 = arith.cmpf ogt, %get3A_668, %select_n3A_664 : vector<16xf32>
      %eq3A_674 = arith.cmpf oeq, %get3A_668, %select_n3A_664 : vector<16xf32>
      %lt3A_675 = arith.cmpi slt, %convert_element_type3A_672, %select_n3A_665 : vector<16xi32>
      %and3A_676 = arith.andi %eq3A_674, %lt3A_675 : vector<16xi1>
      %or3A_677 = arith.ori %gt3A_673, %and3A_676 : vector<16xi1>
      %select_n3A_678 = arith.select %or3A_677, %get3A_668, %select_n3A_664 : vector<16xi1>, vector<16xf32>
      %select_n3A_679 = arith.select %or3A_677, %convert_element_type3A_672, %select_n3A_665 : vector<16xi1>, vector<16xi32>
      %xor3A = arith.constant 8 : i32
      %xor3A_680 = vector.broadcast %xor3A : i32 to vector<16xi32>
      %xor3A_681 = arith.xori %iota3A, %xor3A_680 : vector<16xi32>
      %lt3A_682 = arith.constant 0 : i32
      %lt3A_683 = vector.broadcast %lt3A_682 : i32 to vector<16xi32>
      %lt3A_684 = arith.cmpi slt, %xor3A_681, %lt3A_683 : vector<16xi32>
      %add3A_685 = arith.constant 16 : i32
      %add3A_686 = vector.broadcast %add3A_685 : i32 to vector<16xi32>
      %add3A_687 = arith.addi %xor3A_681, %add3A_686 : vector<16xi32>
      %select_n3A_688 = arith.select %lt3A_684, %add3A_687, %xor3A_681 : vector<16xi1>, vector<16xi32>
      %broadcast_in_dim3A_689 = vector.shape_cast %select_n3A_688 : vector<16xi32> to vector<16x1xi32>
      %gather3A = vector.shape_cast %broadcast_in_dim3A_689 : vector<16x1xi32> to vector<16xi32>
      %gather3A_690 = tpu.dynamic_gather %select_n3A_678[%gather3A] in [0] : vector<16xf32>, vector<16xi32> -> vector<16xf32>
      %lt3A_691 = arith.constant 0 : i32
      %lt3A_692 = vector.broadcast %lt3A_691 : i32 to vector<16xi32>
      %lt3A_693 = arith.cmpi slt, %xor3A_681, %lt3A_692 : vector<16xi32>
      %add3A_694 = arith.constant 16 : i32
      %add3A_695 = vector.broadcast %add3A_694 : i32 to vector<16xi32>
      %add3A_696 = arith.addi %xor3A_681, %add3A_695 : vector<16xi32>
      %select_n3A_697 = arith.select %lt3A_693, %add3A_696, %xor3A_681 : vector<16xi1>, vector<16xi32>
      %broadcast_in_dim3A_698 = vector.shape_cast %select_n3A_697 : vector<16xi32> to vector<16x1xi32>
      %gather3A_699 = vector.shape_cast %broadcast_in_dim3A_698 : vector<16x1xi32> to vector<16xi32>
      %gather3A_700 = tpu.dynamic_gather %select_n3A_679[%gather3A_699] in [0] : vector<16xi32>, vector<16xi32> -> vector<16xi32>
      %gt3A_701 = arith.cmpf ogt, %gather3A_690, %select_n3A_678 : vector<16xf32>
      %eq3A_702 = arith.cmpf oeq, %gather3A_690, %select_n3A_678 : vector<16xf32>
      %lt3A_703 = arith.cmpi slt, %gather3A_700, %select_n3A_679 : vector<16xi32>
      %and3A_704 = arith.andi %eq3A_702, %lt3A_703 : vector<16xi1>
      %or3A_705 = arith.ori %gt3A_701, %and3A_704 : vector<16xi1>
      %select_n3A_706 = arith.select %or3A_705, %gather3A_690, %select_n3A_678 : vector<16xi1>, vector<16xf32>
      %select_n3A_707 = arith.select %or3A_705, %gather3A_700, %select_n3A_679 : vector<16xi1>, vector<16xi32>
      %xor3A_708 = arith.constant 4 : i32
      %xor3A_709 = vector.broadcast %xor3A_708 : i32 to vector<16xi32>
      %xor3A_710 = arith.xori %iota3A, %xor3A_709 : vector<16xi32>
      %lt3A_711 = arith.constant 0 : i32
      %lt3A_712 = vector.broadcast %lt3A_711 : i32 to vector<16xi32>
      %lt3A_713 = arith.cmpi slt, %xor3A_710, %lt3A_712 : vector<16xi32>
      %add3A_714 = arith.constant 16 : i32
      %add3A_715 = vector.broadcast %add3A_714 : i32 to vector<16xi32>
      %add3A_716 = arith.addi %xor3A_710, %add3A_715 : vector<16xi32>
      %select_n3A_717 = arith.select %lt3A_713, %add3A_716, %xor3A_710 : vector<16xi1>, vector<16xi32>
      %broadcast_in_dim3A_718 = vector.shape_cast %select_n3A_717 : vector<16xi32> to vector<16x1xi32>
      %gather3A_719 = vector.shape_cast %broadcast_in_dim3A_718 : vector<16x1xi32> to vector<16xi32>
      %gather3A_720 = tpu.dynamic_gather %select_n3A_706[%gather3A_719] in [0] : vector<16xf32>, vector<16xi32> -> vector<16xf32>
      %lt3A_721 = arith.constant 0 : i32
      %lt3A_722 = vector.broadcast %lt3A_721 : i32 to vector<16xi32>
      %lt3A_723 = arith.cmpi slt, %xor3A_710, %lt3A_722 : vector<16xi32>
      %add3A_724 = arith.constant 16 : i32
      %add3A_725 = vector.broadcast %add3A_724 : i32 to vector<16xi32>
      %add3A_726 = arith.addi %xor3A_710, %add3A_725 : vector<16xi32>
      %select_n3A_727 = arith.select %lt3A_723, %add3A_726, %xor3A_710 : vector<16xi1>, vector<16xi32>
      %broadcast_in_dim3A_728 = vector.shape_cast %select_n3A_727 : vector<16xi32> to vector<16x1xi32>
      %gather3A_729 = vector.shape_cast %broadcast_in_dim3A_728 : vector<16x1xi32> to vector<16xi32>
      %gather3A_730 = tpu.dynamic_gather %select_n3A_707[%gather3A_729] in [0] : vector<16xi32>, vector<16xi32> -> vector<16xi32>
      %gt3A_731 = arith.cmpf ogt, %gather3A_720, %select_n3A_706 : vector<16xf32>
      %eq3A_732 = arith.cmpf oeq, %gather3A_720, %select_n3A_706 : vector<16xf32>
      %lt3A_733 = arith.cmpi slt, %gather3A_730, %select_n3A_707 : vector<16xi32>
      %and3A_734 = arith.andi %eq3A_732, %lt3A_733 : vector<16xi1>
      %or3A_735 = arith.ori %gt3A_731, %and3A_734 : vector<16xi1>
      %select_n3A_736 = arith.select %or3A_735, %gather3A_720, %select_n3A_706 : vector<16xi1>, vector<16xf32>
      %select_n3A_737 = arith.select %or3A_735, %gather3A_730, %select_n3A_707 : vector<16xi1>, vector<16xi32>
      %xor3A_738 = arith.constant 2 : i32
      %xor3A_739 = vector.broadcast %xor3A_738 : i32 to vector<16xi32>
      %xor3A_740 = arith.xori %iota3A, %xor3A_739 : vector<16xi32>
      %lt3A_741 = arith.constant 0 : i32
      %lt3A_742 = vector.broadcast %lt3A_741 : i32 to vector<16xi32>
      %lt3A_743 = arith.cmpi slt, %xor3A_740, %lt3A_742 : vector<16xi32>
      %add3A_744 = arith.constant 16 : i32
      %add3A_745 = vector.broadcast %add3A_744 : i32 to vector<16xi32>
      %add3A_746 = arith.addi %xor3A_740, %add3A_745 : vector<16xi32>
      %select_n3A_747 = arith.select %lt3A_743, %add3A_746, %xor3A_740 : vector<16xi1>, vector<16xi32>
      %broadcast_in_dim3A_748 = vector.shape_cast %select_n3A_747 : vector<16xi32> to vector<16x1xi32>
      %gather3A_749 = vector.shape_cast %broadcast_in_dim3A_748 : vector<16x1xi32> to vector<16xi32>
      %gather3A_750 = tpu.dynamic_gather %select_n3A_736[%gather3A_749] in [0] : vector<16xf32>, vector<16xi32> -> vector<16xf32>
      %lt3A_751 = arith.constant 0 : i32
      %lt3A_752 = vector.broadcast %lt3A_751 : i32 to vector<16xi32>
      %lt3A_753 = arith.cmpi slt, %xor3A_740, %lt3A_752 : vector<16xi32>
      %add3A_754 = arith.constant 16 : i32
      %add3A_755 = vector.broadcast %add3A_754 : i32 to vector<16xi32>
      %add3A_756 = arith.addi %xor3A_740, %add3A_755 : vector<16xi32>
      %select_n3A_757 = arith.select %lt3A_753, %add3A_756, %xor3A_740 : vector<16xi1>, vector<16xi32>
      %broadcast_in_dim3A_758 = vector.shape_cast %select_n3A_757 : vector<16xi32> to vector<16x1xi32>
      %gather3A_759 = vector.shape_cast %broadcast_in_dim3A_758 : vector<16x1xi32> to vector<16xi32>
      %gather3A_760 = tpu.dynamic_gather %select_n3A_737[%gather3A_759] in [0] : vector<16xi32>, vector<16xi32> -> vector<16xi32>
      %gt3A_761 = arith.cmpf ogt, %gather3A_750, %select_n3A_736 : vector<16xf32>
      %eq3A_762 = arith.cmpf oeq, %gather3A_750, %select_n3A_736 : vector<16xf32>
      %lt3A_763 = arith.cmpi slt, %gather3A_760, %select_n3A_737 : vector<16xi32>
      %and3A_764 = arith.andi %eq3A_762, %lt3A_763 : vector<16xi1>
      %or3A_765 = arith.ori %gt3A_761, %and3A_764 : vector<16xi1>
      %select_n3A_766 = arith.select %or3A_765, %gather3A_750, %select_n3A_736 : vector<16xi1>, vector<16xf32>
      %select_n3A_767 = arith.select %or3A_765, %gather3A_760, %select_n3A_737 : vector<16xi1>, vector<16xi32>
      %xor3A_768 = arith.constant 1 : i32
      %xor3A_769 = vector.broadcast %xor3A_768 : i32 to vector<16xi32>
      %xor3A_770 = arith.xori %iota3A, %xor3A_769 : vector<16xi32>
      %lt3A_771 = arith.constant 0 : i32
      %lt3A_772 = vector.broadcast %lt3A_771 : i32 to vector<16xi32>
      %lt3A_773 = arith.cmpi slt, %xor3A_770, %lt3A_772 : vector<16xi32>
      %add3A_774 = arith.constant 16 : i32
      %add3A_775 = vector.broadcast %add3A_774 : i32 to vector<16xi32>
      %add3A_776 = arith.addi %xor3A_770, %add3A_775 : vector<16xi32>
      %select_n3A_777 = arith.select %lt3A_773, %add3A_776, %xor3A_770 : vector<16xi1>, vector<16xi32>
      %broadcast_in_dim3A_778 = vector.shape_cast %select_n3A_777 : vector<16xi32> to vector<16x1xi32>
      %gather3A_779 = vector.shape_cast %broadcast_in_dim3A_778 : vector<16x1xi32> to vector<16xi32>
      %gather3A_780 = tpu.dynamic_gather %select_n3A_766[%gather3A_779] in [0] : vector<16xf32>, vector<16xi32> -> vector<16xf32>
      %lt3A_781 = arith.constant 0 : i32
      %lt3A_782 = vector.broadcast %lt3A_781 : i32 to vector<16xi32>
      %lt3A_783 = arith.cmpi slt, %xor3A_770, %lt3A_782 : vector<16xi32>
      %add3A_784 = arith.constant 16 : i32
      %add3A_785 = vector.broadcast %add3A_784 : i32 to vector<16xi32>
      %add3A_786 = arith.addi %xor3A_770, %add3A_785 : vector<16xi32>
      %select_n3A_787 = arith.select %lt3A_783, %add3A_786, %xor3A_770 : vector<16xi1>, vector<16xi32>
      %broadcast_in_dim3A_788 = vector.shape_cast %select_n3A_787 : vector<16xi32> to vector<16x1xi32>
      %gather3A_789 = vector.shape_cast %broadcast_in_dim3A_788 : vector<16x1xi32> to vector<16xi32>
      %gather3A_790 = tpu.dynamic_gather %select_n3A_767[%gather3A_789] in [0] : vector<16xi32>, vector<16xi32> -> vector<16xi32>
      %gt3A_791 = arith.cmpf ogt, %gather3A_780, %select_n3A_766 : vector<16xf32>
      %eq3A_792 = arith.cmpf oeq, %gather3A_780, %select_n3A_766 : vector<16xf32>
      %lt3A_793 = arith.cmpi slt, %gather3A_790, %select_n3A_767 : vector<16xi32>
      %and3A_794 = arith.andi %eq3A_792, %lt3A_793 : vector<16xi1>
      %or3A_795 = arith.ori %gt3A_791, %and3A_794 : vector<16xi1>
      %select_n3A_796 = arith.select %or3A_795, %gather3A_780, %select_n3A_766 : vector<16xi1>, vector<16xf32>
      %select_n3A_797 = arith.select %or3A_795, %gather3A_790, %select_n3A_767 : vector<16xi1>, vector<16xi32>
      %swap3A_798 = arith.constant 0 : index
      %swap3A_799 = tpu.vector_load %arg9[%swap3A_798] {strides = array<i32>} : memref<16xi32, #tpu.memory_space<vmem>>, vector<16xi32>,
      %swap3A_800 = vector.shape_cast %swap3A_799 : vector<16xi32> to vector<16xi32>
      %swap3A_801 = vector.shape_cast %select_n3A_797 : vector<16xi32> to vector<16xi32>
      tpu.vector_store %arg9[%swap3A_798], %swap3A_801 {strides = array<i32>} : memref<16xi32, #tpu.memory_space<vmem>>, vector<16xi32>,
      "tpu.region"() ({
        %run_scoped3A = tpu.sem_alloc : memref<!tpu.dma_semaphore, #tpu.memory_space<semaphore_mem>>
        %dma_start3A_802 = arith.constant 0 : i32
        %dma_start3A_803 = tpu.memref_slice %arg9[%dma_start3A_802] : memref<16xi32, #tpu.memory_space<vmem>> -> memref<1xi32, #tpu.memory_space<vmem>>
        %dma_start3A_804 = arith.constant 0 : i32
        %dma_start3A_805 = arith.constant 0 : i32
        %dma_start3A_806 = tpu.memref_slice %arg2[%dma_start3A_804, %dma_start3A_805] : memref<8192x4096xf32, #tpu.memory_space<hbm>> -> memref<8192x4096xf32, #tpu.memory_space<hbm>>
        tpu.enqueue_indirect_dma source(%dma_start3A_806 : memref<8192x4096xf32, #tpu.memory_space<hbm>>) target(%arg12 : memref<1x4096xf32, #tpu.memory_space<vmem>>) offsets(%dma_start3A_803 : memref<1xi32, #tpu.memory_space<vmem>>) semaphore(%run_scoped3A : memref<!tpu.dma_semaphore, #tpu.memory_space<semaphore_mem>>)
        %dma_wait3A_807 = arith.constant 0 : i32
        %dma_wait3A_808 = tpu.memref_slice %arg9[%dma_wait3A_807] : memref<16xi32, #tpu.memory_space<vmem>> -> memref<1xi32, #tpu.memory_space<vmem>>
        %dma_wait3A_809 = arith.constant 0 : i32
        %dma_wait3A_810 = arith.constant 0 : i32
        %dma_wait3A_811 = tpu.memref_slice %arg2[%dma_wait3A_809, %dma_wait3A_810] : memref<8192x4096xf32, #tpu.memory_space<hbm>> -> memref<8192x4096xf32, #tpu.memory_space<hbm>>
        tpu.wait_indirect_dma semaphore(%run_scoped3A : memref<!tpu.dma_semaphore, #tpu.memory_space<semaphore_mem>>) src(%dma_wait3A_811 : memref<8192x4096xf32, #tpu.memory_space<hbm>>) dst(%arg12 : memref<1x4096xf32, #tpu.memory_space<vmem>>)
        tpu.yield
      }) : () -> ()
      "tpu.region"() ({
        %run_scoped3A = tpu.sem_alloc : memref<!tpu.dma_semaphore, #tpu.memory_space<semaphore_mem>>
        tpu.enqueue_dma source(%arg12 : memref<1x4096xf32, #tpu.memory_space<vmem>>) target(%arg5 : memref<1x4096xf32, #tpu.memory_space<hbm>>) target_semaphore(%run_scoped3A : memref<!tpu.dma_semaphore, #tpu.memory_space<semaphore_mem>>)
        tpu.wait_dma2 semaphore(%run_scoped3A : memref<!tpu.dma_semaphore, #tpu.memory_space<semaphore_mem>>) src(%arg12 : memref<1x4096xf32, #tpu.memory_space<vmem>>) dst(%arg5 : memref<1x4096xf32, #tpu.memory_space<hbm>>)
        tpu.yield
      }) : () -> ()
    } else {
    }
    return
  }
}

</mosaic_0001>

<sc_bundles>
// kernel: kernel.3.cloned.1.call-start
scs
__scs_entry_jumppad:
0x0: {  	(pc) =	sbr.rel $0x88, $3  }
0x1: {  	(tag) =	ssettag $0x0;
	lr =	simm.s32 $0x1  }
0x2: {  	[smem:$0x3F9F] =	sst lr;
	_ =	strace $0xD0000000  }
0x3: {  	_ = 	snop  }
0x4: {  	_ = 	snop  }
0x5: {  	_ = 	snop  }
0x6: {  	_ = 	snop  }
0x7: {  	_ = 	snop  }
__scs_overlays_trampoline_lowered:
0x8: {  	[smem:$0x3FAE] =	sst s0  }
0x9: {  	[smem:$0x3FAF] =	sst s1  }
0xa: {  	[smem:$0x3FB0] =	sst s2  }
0xb: {  	[smem:$0x3FB1] =	sst s3  }
0xc: {  	[smem:$0x3FB2] =	sst s4  }
0xd: {  	[smem:$0x3FB3] =	sst s5  }
0xe: {  	[smem:$0x3FB4] =	sst s6  }
0xf: {  	[smem:$0x3FB5] =	sst s7  }
0x10: {  	[smem:$0x3FB6] =	sst s8  }
0x11: {  	[smem:$0x3FB7] =	sst s9;
	s0 =	simm.s32 @!p0 $0x0  }
0x12: {  	s1 =	sld [smem:$0x3F9D];
	s0 =	simm.s32 @p0 $0x1  }
0x13: {  	[smem:$0x3FB8] =	sst s0;
	s0 =	simm.s32 @!p1 $0x0  }
0x14: {  	s2 =	sld [smem:$0x3F9C];
	s0 =	simm.s32 @p1 $0x1  }
0x15: {  	[smem:$0x3FB9] =	sst s0;
	s0 =	simm.s32 @!p2 $0x0  }
0x16: {  	s3 =	sld [smem:$0x3FDB];
	s0 =	simm.s32 @p2 $0x1  }
0x17: {  	s4 =	simm.s32 $0x1BF5;
	[smem:$0x3FBB] =	sst s0  }
0x18: {  	s0 =	sld [smem:$0x3F9E];
	_ =	swait.ge [sflag:s4], $0x0  }
0x19: {  	s7 =	sld [smem:$0x3F9F]  }
0x1a: {  	s8 =	sadd.s32 $0xFFFFE003, lr  }
0x1b: {  	s9 =	sadd.s32 $0xFFFFFEF7, lr;
	s5 =	simm.s32 $0xFFFFFFFF;
	p2 =	slt.u32 s8, $0xFFFFF086  }
0x1c: {  	p1 =	slt.u32 s9, $0xF7A;
	s5 =	simm.s32 @!p2 $0x0  }
0x1d: {  	s5 =	simm.s32 @p1 $0x1;
	p0 =	seq.s32 s7, s2  }
0x1e: {  	s7 =	smul.u32 @!p0 $0xF7A, s2;
	p2 =	seq.s32 @!p0 s5, $0x0  }
0x1f: {  	s9 =	smul.u32 $0xF7A, s1;
	s8 =	simm.s32 @!p0 $0x1BF5;
	p2 =	por !p2, p0  }
0x20: {  	[sflag:s8] =	ssyncset.s32 @!p0 $0xFFFFF086;
	s6 =	sadd.s32 @!p0 s3, s7;
	s7 =	simm.s32 @!p0 $0x108  }
0x21: {  	s3 =	sadd.s32 s3, s9;
	s6 =	sadd.s32 @!p0 $0x88, s6;
	s7 =	simm.s32 @p2 $0x1082  }
0x22: {  	[simem:s7], [sflag:s8] =	dma.local @!p0 [hbm:s6], $0xF7A  }
0x23: {  	s9 =	sor.u32 $0xD0000000, s2;
	s6 =	simm.s32 $0x108;
	_ =	swait.ge @!p0 [sflag:s8], $0x0  }
0x24: {  	s3 =	sadd.s32 $0x88, s3;
	s6 =	simm.s32 @!p1 $0x1082;
	[sflag:s4] =	ssyncset.s32 $0xFFFFF086  }
0x25: {  	[simem:s6], [sflag:s4] =	dma.local [hbm:s3], $0xF7A  }
0x26: {  	[smem:$0x3F9F] =	sst s1;
	(tag) =	ssettag s2;
	_ =	strace s9  }
0x27: {  	s1 =	sld [smem:$0x3FAF]  }
0x28: {  	s2 =	sld [smem:$0x3FB0]  }
0x29: {  	s4 =	sld [smem:$0x3FB2]  }
0x2a: {  	p0 =	seq.s32 s5, $0x0;
	s5 =	sld [smem:$0x3FB3]  }
0x2b: {  	s6 =	sld [smem:$0x3FB4]  }
0x2c: {  	s7 =	sld [smem:$0x3FB5]  }
0x2d: {  	s3 =	simm.s32 $0x108;
	s8 =	sld [smem:$0x3FB6]  }
0x2e: {  	s3 =	simm.s32 @!p0 $0x1082;
	s9 =	sld [smem:$0x3FB7]  }
0x2f: {  	lr =	sadd.s32 s0, s3;
	s0 =	sld [smem:$0x3FAE]  }
0x30: {  	s3 =	sld [smem:$0x3FB1]  }
0x31: {  	[smem:$0x3FBA] =	sst s10  }
0x32: {  	s10 =	sld [smem:$0x3FB8];
	_ =	sdelay $0x3  }
0x33: {  	p0 =	seq.s32 s10, $0x1;
	s10 =	sld [smem:$0x3FBA];
	_ =	sdelay $0x3  }
0x34: {  	[smem:$0x3FBA] =	sst s10  }
0x35: {  	s10 =	sld [smem:$0x3FB9];
	_ =	sdelay $0x3  }
0x36: {  	p1 =	seq.s32 s10, $0x1;
	s10 =	sld [smem:$0x3FBA];
	_ =	sdelay $0x3  }
0x37: {  	[smem:$0x3FBA] =	sst s10  }
0x38: {  	s10 =	sld [smem:$0x3FBB]  }
0x39: {  	_ = 	snop;
	(pc) =	sbr.ind lr, $3  }
0x3a: {  	_ = 	snop  }
0x3b: {  	_ = 	snop  }
0x3c: {  	p2 =	seq.s32 s10, $0x1;
	s10 =	sld [smem:$0x3FBA]  }
0x3d: {  	_ =	shalt  }
0x3e: {  	_ =	shalt  }
0x3f: {  	_ =	shalt  }
0x40: {  	_ =	shalt  }
0x41: {  	_ =	shalt  }
0x42: {  	_ =	shalt  }
0x43: {  	_ =	shalt  }
0x44: {  	_ =	shalt  }
0x45: {  	_ =	shalt  }
0x46: {  	_ =	shalt  }
0x47: {  	_ =	shalt  }
0x48: {  	_ =	shalt  }
0x49: {  	_ =	shalt  }
0x4a: {  	_ =	shalt  }
0x4b: {  	_ =	shalt  }
0x4c: {  	_ =	shalt  }
0x4d: {  	_ =	shalt  }
0x4e: {  	_ =	shalt  }
0x4f: {  	_ =	shalt  }
0x50: {  	_ =	shalt  }
0x51: {  	_ =	shalt  }
0x52: {  	_ =	shalt  }
0x53: {  	_ =	shalt  }
0x54: {  	_ =	shalt  }
0x55: {  	_ =	shalt  }
0x56: {  	_ =	shalt  }
0x57: {  	_ =	shalt  }
0x58: {  	_ =	shalt  }
0x59: {  	_ =	shalt  }
0x5a: {  	_ =	shalt  }
0x5b: {  	_ =	shalt  }
0x5c: {  	_ =	shalt  }
0x5d: {  	_ =	shalt  }
0x5e: {  	_ =	shalt  }
0x5f: {  	_ =	shalt  }
0x60: {  	_ =	shalt  }
0x61: {  	_ =	shalt  }
0x62: {  	_ =	shalt  }
0x63: {  	_ =	shalt  }
0x64: {  	_ =	shalt  }
0x65: {  	_ =	shalt  }
0x66: {  	_ =	shalt  }
0x67: {  	_ =	shalt  }
0x68: {  	_ =	shalt  }
0x69: {  	_ =	shalt  }
0x6a: {  	_ =	shalt  }
0x6b: {  	_ =	shalt  }
0x6c: {  	_ =	shalt  }
0x6d: {  	_ =	shalt  }
0x6e: {  	_ =	shalt  }
0x6f: {  	_ =	shalt  }
0x70: {  	_ =	shalt  }
0x71: {  	_ =	shalt  }
0x72: {  	_ =	shalt  }
0x73: {  	_ =	shalt  }
0x74: {  	_ =	shalt  }
0x75: {  	_ =	shalt  }
0x76: {  	_ =	shalt  }
0x77: {  	_ =	shalt  }
0x78: {  	_ =	shalt  }
0x79: {  	_ =	shalt  }
0x7a: {  	_ =	shalt  }
0x7b: {  	_ =	shalt  }
0x7c: {  	_ =	shalt  }
0x7d: {  	_ =	shalt  }
0x7e: {  	_ =	shalt  }
0x7f: {  	_ =	shalt  }
0x80: {  	_ =	shalt  }
0x81: {  	_ =	shalt  }
0x82: {  	_ =	shalt  }
0x83: {  	_ =	shalt  }
0x84: {  	_ =	shalt  }
0x85: {  	_ =	shalt  }
0x86: {  	_ =	shalt  }
0x87: {  	_ =	shalt  }
.Lfunc_end0:
.L_simem_size_0:
called_computation_lowered:
.L_overlay_start_0:
0x88: {  	s0 =	sld [smem:$0x3FD9]  }
0x89: {  	s1 =	sld [smem:$0x3FFE];
	_ =	sdelay $0x3  }
0x8a: {  	s0 =	sadd.s32 s1, s0  }
0x8b: {  	[smem:$0x3FC6] =	sst s0  }
0x8c: {  	_ = 	snop  }
0x8d: {  	s0 =	sld [smem:$0x3FC9]  }
0x8e: {  	s16 =	sld [smem:$0x3FC8]  }
0x8f: {  	s2 =	sld [smem:$0x3FD0];
	(tm) =	ssettm $0x1  }
0x90: {  	s3 =	sld [smem:$0x3FFB];
	_ =	sdelay $0x3  }
0x91: {  	_ =	strace s3  }
0x92: {  	s3 =	sld [smem:$0x3FFC];
	_ =	sdelay $0x3  }
0x93: {  	_ =	strace s3  }
0x94: {  	s3 =	sld [smem:$0x3FFD];
	_ =	sdelay $0x3  }
0x95: {  	_ =	strace s3  }
0x96: {  	_ =	strace $0x8FFFFFFF  }
0x97: {  	s17 =	sld [smem:$0x3FDB];
	_ =	sdelay $0x1  }
0x98: {  	s4 =	simm.s32 $_scs_section_size  }
0x99: {  	s5 =	simm.s32 $_size__tile_overlayer_lowered;
	s6 =	simm.s32 $_tile_overlayer_lowered  }
0x9a: {  	s20 =	simm.s32 $0x1BFF;
	s19 =	sshll.u32 s6, $0x1;
	s3 =	sadd.s32 s4, s17  }
0x9b: {  	s7 =	simm.s32 $0x0;
	s18 =	sshll.u32 s5, $0x1;
	s5 =	sadd.s32 s19, s3  }
0x9c: {  	[timem:s7], [sflag:s20] =	dma.local [hbm:s5], s18  }
0x9d: {  	_ =	swait.ge [sflag:s20], s18  }
0x9e: {  	s4 =	ssub.s32 $0x0, s18;
	[sflag:s20] =	ssyncset.done $0x0  }
0x9f: {  	[sflag:s20] =	ssyncadd.s32 s4;
	_ =	sdelay $0x1  }
0xa0: {  	s21 =	simm.s32 $0x1B8B  }
0xa1: {  	_ =	swait.ge [sflag:s21], $0x1  }
0xa2: {  	[sflag:s21] =	ssyncset.done $0x0  }
0xa3: {  	s23 =	simm.s32 $0x1B8E;
	s22 =	sld [smem:$0x3FFE];
	[sflag:s21] =	ssyncadd.s32 $0xFFFFFFFF  }
0xa4: {  	s24 =	simm.s32 $execute0_lowered;
	[smem:$0x3FD2] =	sst s23  }
0xa5: {  	s5 =	sshll.u32 s24, $0x1;
	_ =	strace $0x80000046;
	[dreg:$0x1] =	wrdreg $0xFFFFFFFF  }
0xa6: {  	s25 =	simm.s32 $_size_execute0_lowered;
	s3 =	sadd.s32 s3, s5;
	[dreg:$0x0] =	wrdreg $0x0  }
0xa7: {  	s5 =	sshll.u32 s25, $0x1;
	[dreg:$0x2] =	wrdreg s3  }
0xa8: {  	[dreg:$0x3] =	wrdreg s5  }
0xa9: {  	[dreg:$0x4] =	wrdreg $0xC0  }
0xaa: {  	_ =	task [dreg:s7], $0x5FFFF  }
0xab: {  	[dreg:$0x1] =	wrdreg $0xFFFFFFFF  }
0xac: {  	[dreg:$0x0] =	wrdreg $0x60  }
0xad: {  	[dreg:$0x2] =	wrdreg s0  }
0xae: {  	[dreg:$0x3] =	wrdreg s16  }
0xaf: {  	[dreg:$0x4] =	wrdreg s22  }
0xb0: {  	[dreg:$0x5] =	wrdreg s2  }
0xb1: {  	[dreg:$0x6] =	wrdreg $0x5000  }
0xb2: {  	[dreg:$0x7] =	wrdreg $0x9  }
0xb3: {  	_ =	task.clear_ibuf [dreg:s7], $0x8FFFF;
	_ =	strace $0x90000046  }
0xb4: {  	s26 =	simm.s32 $0x9;
	_ =	strace $0x80000048  }
0xb5: {  	_ =	swait.ge [sflag:s26], $0x1  }
0xb6: {  	[sflag:s26] =	ssyncadd.s32 $0xFFFFFFFF  }
0xb7: {  	_ =	strace $0x90000048  }
0xb8: {  	_ =	sfence  }
0xb9: {  	s28 =	sld [smem:$0x0];
	_ =	sdelay $0x1  }
0xba: {  	s29 =	srdreg.scid  }
0xbb: {  	s30 =	sshll.u32 s29, $0xD;
	s31 =	sshrl.u32 s29, $0x2  }
0xbc: {  	s1 =	sand.u32 $0x1, s29;
	s2 =	sand.u32 $0x4000, s30;
	s0 =	sadd.s32 s31, s28  }
0xbd: {  	s1 =	sor.u32 s2, s1;
	s0 =	sshll.u32 s0, $0x11  }
0xbe: {  	s0 =	sor.u32 s0, s1  }
0xbf: {  	s0 =	sadd.s32 $0x8F2B, s0  }
0xc0: {  	[sflag:s0] =	ssyncadd.remote.s32 $0x1  }
0xc1: {  	_ =	sfence.sel $0xFFFF  }
0xc2: {  	[dreg:$0x0] =	wrdreg $0xFFFFFFFF;
	(pc) =	sbr.abs _section_cstart, $3  }
0xc3: {  	[dreg:$0x1] =	wrdreg $0xFFFFFFFF  }
0xc4: {  	_ =	task.clear_ibuf [dreg:s7], $0x2FFFF;
	_ =	strace $0x9FFFFFFF  }
0xc5: {  	(tm) =	ssettm $0x7FFFFFFF  }
tec
execute0_lowered:
.L_overlay_start_1:
0x0: {  	(tag) =	ssettag $0x1  }
0x1: {  	s2 =	rddreg [dreg:$0x0]  }
0x2: {  	s6 =	rddreg [dreg:$0x1]  }
0x3: {  	s7 =	rddreg [dreg:$0x2]  }
0x4: {  	s1 =	rddreg [dreg:$0x3]  }
0x5: {  	s4 =	rddreg [dreg:$0x4]  }
0x6: {  	s0 =	rddreg [dreg:$0x5];
	s3 =	simm.s32 $0x0;
	s5 =	stileid.u32  }
0x7: {  	[smem:$0x7FF] =	sst s3;
	s8 =	sshll.u32 s5, $0x6  }
0x8: {  	_ =	strace $0x80000047;
	s7 =	sadd.s32 s8, s7;
	s6 =	sadd.s32 s6, s8  }
0x9: {  	[tilespmem:s3], [sflag:$0x1] =	stream.linear.gather [hbm4b:s6+s3], $0x200, $0x38;
	[tilespmem:$0x1720] =	vst v63  }
0xa: {  	s19 =	simm.s32 $0x200;
	s20 =	simm.s32 $0x1;
	s18 =	sadd.s32 $0x400, s7  }
0xb: {  	[tilespmem:s19], [sflag:$0x2] =	stream.linear.gather [hbm4b:s18+s3], $0x200, $0x38;
	[tilespmem:$0x1720] =	vst v63  }
0xc: {  	_ =	swait.ge [sflag:s20], $0x200  }
0xd: {  	[sflag:s20] =	ssyncset.done $0x0  }
0xe: {  	s21 =	simm.s32 $0x2;
	[sflag:s20] =	ssyncadd.s32 $0xFFFFFE00  }
0xf: {  	_ =	swait.ge [sflag:s21], $0x200  }
0x10: {  	[sflag:s21] =	ssyncset.done $0x0  }
0x11: {  	[sflag:s21] =	ssyncadd.s32 $0xFFFFFE00  }
0x12: {  	v0 =	vld [tilespmem:$0x0]  }
0x13: {  	v1 =	vld [tilespmem:$0x200]  }
0x14: {  	v2 =	vld [tilespmem:$0x10]  }
0x15: {  	v3 =	vld [tilespmem:$0x210]  }
0x16: {  	v4 =	vld [tilespmem:$0x20]  }
0x17: {  	v5 =	vld [tilespmem:$0x30]  }
0x18: {  	v6 =	vld [tilespmem:$0x230]  }
0x19: {  	v7 =	vld [tilespmem:$0x240]  }
0x1a: {  	v0 =	vadd.f32 v1, v0;
	v1 =	vld [tilespmem:$0x220]  }
0x1b: {  	v49 =	vld [tilespmem:$0x50]  }
0x1c: {  	v50 =	vld [tilespmem:$0x60];
	vm0 =	vlt.f32 v0, $-Inf;
	vm1 =	vgt.f32 v0, $-Inf  }
0x1d: {  	v51 =	vld [tilespmem:$0x70];
	v2 =	vadd.f32 v3, v2;
	vm4 =	vmor vm1, vm0  }
0x1e: {  	v3 =	vld [tilespmem:$0x40];
	v0 =	vnsel vm4, $0xFF800000, v0  }
0x1f: {  	v52 =	vld [tilespmem:$0x270];
	vm8 =	vgt.f32 v2, v0;
	v1 =	vadd.f32 v1, v4  }
0x20: {  	v0 =	vsel vm8, v2, v0;
	v2 =	vld [tilespmem:$0x250]  }
0x21: {  	v53 =	vld [tilespmem:$0x80];
	v5 =	vadd.f32 v6, v5;
	vm10 =	vgt.f32 v1, v0  }
0x22: {  	v0 =	vsel vm10, v1, v0;
	v1 =	vld [tilespmem:$0x260]  }
0x23: {  	v54 =	vld [tilespmem:$0x90];
	v3 =	vadd.f32 v7, v3;
	vm9 =	vgt.f32 v5, v0  }
0x24: {  	v55 =	vld [tilespmem:$0xA0];
	v0 =	vsel vm9, v5, v0  }
0x25: {  	v56 =	vld [tilespmem:$0xB0];
	vm5 =	vgt.f32 v3, v0;
	v2 =	vadd.f32 v2, v49  }
0x26: {  	v0 =	vsel vm5, v3, v0;
	v3 =	vld [tilespmem:$0x280]  }
0x27: {  	v57 =	vld [tilespmem:$0x2B0];
	vm7 =	vgt.f32 v2, v0;
	v1 =	vadd.f32 v1, v50  }
0x28: {  	v0 =	vsel vm7, v2, v0;
	v2 =	vld [tilespmem:$0x290]  }
0x29: {  	v58 =	vld [tilespmem:$0xC0];
	v5 =	vadd.f32 v52, v51;
	vm6 =	vgt.f32 v1, v0  }
0x2a: {  	v0 =	vsel vm6, v1, v0;
	v1 =	vld [tilespmem:$0x2A0]  }
0x2b: {  	v59 =	vld [tilespmem:$0xD0];
	vm1 =	vgt.f32 v5, v0;
	v3 =	vadd.f32 v3, v53  }
0x2c: {  	v8 =	vld [tilespmem:$0x2D0];
	v0 =	vsel vm1, v5, v0  }
0x2d: {  	v13 =	vld [tilespmem:$0x110];
	vm3 =	vgt.f32 v3, v0;
	v2 =	vadd.f32 v2, v54  }
0x2e: {  	v0 =	vsel vm3, v3, v0;
	v3 =	vld [tilespmem:$0x2C0]  }
0x2f: {  	v16 =	vld [tilespmem:$0x310];
	vm2 =	vgt.f32 v2, v0;
	v1 =	vadd.f32 v1, v55  }
0x30: {  	v2 =	vsel vm2, v2, v0  }
0x31: {  	s6 =	sshll.u32 s5, $0x9;
	v60 =	vld [tilespmem:$0xE0];
	v4 =	vadd.f32 v57, v56;
	v0 =	vlaneseq.u32;
	vm12 =	vgt.f32 v1, v2  }
0x32: {  	v9 =	vor.u32 s6, v0;
	v1 =	vsel vm12, v1, v2;
	v2 =	vld [tilespmem:$0x2E0]  }
0x33: {  	v61 =	vld [tilespmem:$0xF0];
	v9 =	vnsel vm4, $0x0, v9;
	vm4 =	vgt.f32 v4, v1;
	v3 =	vadd.f32 v3, v58  }
0x34: {  	s22 =	sor.u32 $0x10, s6;
	s23 =	sor.u32 $0x20, s6;
	v62 =	vld [tilespmem:$0x2F0];
	v7 =	vadd.f32 v8, v59;
	v5 =	vadd.f32 v16, v13;
	v1 =	vsel vm4, v4, v1  }
0x35: {  	s24 =	sor.u32 $0x30, s6;
	v63 =	vld [tilespmem:$0x100];
	v10 =	vor.u32 s22, v0;
	v11 =	vor.u32 s23, v0;
	vm13 =	vgt.f32 v3, v1  }
0x36: {  	v12 =	vor.u32 s24, v0;
	v9 =	vsel vm8, v10, v9;
	v1 =	vsel vm13, v3, v1;
	v3 =	vld [tilespmem:$0x300]  }
0x37: {  	s25 =	sor.u32 $0x40, s6;
	v9 =	vsel vm10, v11, v9;
	vm14 =	vgt.f32 v7, v1;
	v2 =	vadd.f32 v2, v60  }
0x38: {  	v14 =	vor.u32 s25, v0;
	v9 =	vsel vm9, v12, v9;
	v1 =	vsel vm14, v7, v1  }
0x39: {  	s26 =	sor.u32 $0x50, s6;
	s28 =	sor.u32 $0x60, s6;
	v17 =	vld [tilespmem:$0x120];
	v4 =	vadd.f32 v62, v61;
	v9 =	vsel vm5, v14, v9;
	vm5 =	vgt.f32 v2, v1  }
0x3a: {  	s29 =	sor.u32 $0x70, s6;
	v15 =	vor.u32 s26, v0;
	v18 =	vor.u32 s28, v0;
	v1 =	vsel vm5, v2, v1;
	v2 =	vld [tilespmem:$0x320]  }
0x3b: {  	s30 =	sor.u32 $0x80, s6;
	v19 =	vld [tilespmem:$0x130];
	v20 =	vor.u32 s29, v0;
	vm15 =	vgt.f32 v4, v1;
	v3 =	vadd.f32 v3, v63  }
0x3c: {  	s31 =	sor.u32 $0x90, s6;
	v22 =	vld [tilespmem:$0x330];
	v21 =	vor.u32 s30, v0;
	v9 =	vsel vm7, v15, v9;
	v1 =	vsel vm15, v4, v1  }
0x3d: {  	s8 =	sor.u32 $0xA0, s6;
	v23 =	vld [tilespmem:$0x140];
	v24 =	vor.u32 s31, v0;
	v9 =	vsel vm6, v18, v9;
	vm10 =	vgt.f32 v3, v1  }
0x3e: {  	v26 =	vor.u32 s8, v0;
	v9 =	vsel vm1, v20, v9;
	v1 =	vsel vm10, v3, v1;
	v3 =	vld [tilespmem:$0x340]  }
0x3f: {  	s9 =	sor.u32 $0xB0, s6;
	v25 =	vld [tilespmem:$0x150];
	v9 =	vsel vm3, v21, v9;
	vm11 =	vgt.f32 v5, v1;
	v2 =	vadd.f32 v2, v17  }
0x40: {  	v28 =	vld [tilespmem:$0x350];
	v27 =	vor.u32 s9, v0;
	v9 =	vsel vm2, v24, v9;
	v1 =	vsel vm11, v5, v1  }
0x41: {  	s10 =	sor.u32 $0xC0, s6;
	v29 =	vld [tilespmem:$0x160];
	v9 =	vsel vm12, v26, v9;
	v4 =	vadd.f32 v22, v19;
	vm12 =	vgt.f32 v2, v1  }
0x42: {  	v30 =	vor.u32 s10, v0;
	v9 =	vsel vm4, v27, v9;
	v1 =	vsel vm12, v2, v1;
	v2 =	vld [tilespmem:$0x360]  }
0x43: {  	s11 =	sor.u32 $0xD0, s6;
	s12 =	sor.u32 $0xE0, s6;
	v31 =	vld [tilespmem:$0x170];
	v9 =	vsel vm13, v30, v9;
	vm13 =	vgt.f32 v4, v1;
	v3 =	vadd.f32 v3, v23  }
0x44: {  	v34 =	vld [tilespmem:$0x370];
	v32 =	vor.u32 s11, v0;
	v33 =	vor.u32 s12, v0;
	v1 =	vsel vm13, v4, v1  }
0x45: {  	s13 =	sor.u32 $0xF0, s6;
	v35 =	vld [tilespmem:$0x180];
	v9 =	vsel vm14, v32, v9;
	v5 =	vadd.f32 v28, v25;
	vm14 =	vgt.f32 v3, v1  }
0x46: {  	v36 =	vor.u32 s13, v0;
	v9 =	vsel vm5, v33, v9;
	v1 =	vsel vm14, v3, v1;
	v3 =	vld [tilespmem:$0x380]  }
0x47: {  	s14 =	sor.u32 $0x100, s6;
	s15 =	sor.u32 $0x110, s6;
	v37 =	vld [tilespmem:$0x190];
	v9 =	vsel vm15, v36, v9;
	vm15 =	vgt.f32 v5, v1;
	v2 =	vadd.f32 v2, v29  }
0x48: {  	s16 =	sor.u32 $0x120, s6;
	v40 =	vld [tilespmem:$0x390];
	v38 =	vor.u32 s14, v0;
	v39 =	vor.u32 s15, v0;
	v1 =	vsel vm15, v5, v1  }
0x49: {  	s17 =	sor.u32 $0x130, s6;
	s18 =	sor.u32 $0x140, s6;
	v41 =	vld [tilespmem:$0x1A0];
	v42 =	vor.u32 s16, v0;
	v4 =	vadd.f32 v34, v31;
	vm6 =	vgt.f32 v2, v1  }
0x4a: {  	s19 =	sor.u32 $0x150, s6;
	v44 =	vor.u32 s17, v0;
	v45 =	vor.u32 s18, v0;
	v1 =	vsel vm6, v2, v1;
	v2 =	vld [tilespmem:$0x3A0]  }
0x4b: {  	s20 =	sor.u32 $0x160, s6;
	s21 =	sor.u32 $0x170, s6;
	v43 =	vld [tilespmem:$0x1B0];
	v48 =	vor.u32 s19, v0;
	vm7 =	vgt.f32 v4, v1;
	v3 =	vadd.f32 v3, v35  }
0x4c: {  	v46 =	vld [tilespmem:$0x3B0];
	v50 =	vor.u32 s20, v0;
	v51 =	vor.u32 s21, v0;
	v1 =	vsel vm7, v4, v1  }
0x4d: {  	v47 =	vld [tilespmem:$0x1C0];
	s22 =	sor.u32 $0x180, s6;
	v9 =	vsel vm10, v38, v9;
	v5 =	vadd.f32 v40, v37;
	vm8 =	vgt.f32 v3, v1  }
0x4e: {  	v54 =	vor.u32 s22, v0;
	v9 =	vsel vm11, v39, v9;
	v1 =	vsel vm8, v3, v1;
	v3 =	vld [tilespmem:$0x3C0]  }
0x4f: {  	v52 =	vld [tilespmem:$0x3D0];
	s23 =	sor.u32 $0x190, s6;
	v9 =	vsel vm12, v42, v9;
	vm9 =	vgt.f32 v5, v1;
	v2 =	vadd.f32 v2, v41  }
0x50: {  	v49 =	vld [tilespmem:$0x1D0];
	v56 =	vor.u32 s23, v0;
	v9 =	vsel vm13, v44, v9;
	v1 =	vsel vm9, v5, v1  }
0x51: {  	v53 =	vld [tilespmem:$0x1E0];
	s24 =	sor.u32 $0x1A0, s6;
	v9 =	vsel vm14, v45, v9;
	v4 =	vadd.f32 v46, v43;
	vm10 =	vgt.f32 v2, v1  }
0x52: {  	v57 =	vor.u32 s24, v0;
	v9 =	vsel vm15, v48, v9;
	v1 =	vsel vm10, v2, v1;
	v2 =	vld [tilespmem:$0x3E0]  }
0x53: {  	v55 =	vld [tilespmem:$0x1F0];
	s26 =	sor.u32 $0x1C0, s6;
	v9 =	vsel vm6, v50, v9;
	vm11 =	vgt.f32 v4, v1;
	v3 =	vadd.f32 v3, v47  }
0x54: {  	v58 =	vld [tilespmem:$0x3F0];
	v61 =	vor.u32 s26, v0;
	v9 =	vsel vm7, v51, v9;
	v1 =	vsel vm11, v4, v1  }
0x55: {  	s25 =	sor.u32 $0x1B0, s6;
	v9 =	vsel vm8, v54, v9;
	v5 =	vadd.f32 v52, v49;
	vm12 =	vgt.f32 v3, v1  }
0x56: {  	v60 =	vor.u32 s25, v0;
	v9 =	vsel vm9, v56, v9;
	v1 =	vsel vm12, v3, v1  }
0x57: {  	s28 =	sor.u32 $0x1D0, s6;
	v59 =	vsel vm10, v57, v9;
	vm13 =	vgt.f32 v5, v1;
	v2 =	vadd.f32 v2, v53  }
0x58: {  	v62 =	vor.u32 s28, v0;
	v3 =	vsel vm11, v60, v59;
	v1 =	vsel vm13, v5, v1  }
0x59: {  	s29 =	sor.u32 $0x1E0, s6;
	v4 =	vadd.f32 v58, v55;
	v3 =	vsel vm12, v61, v3;
	vm14 =	vgt.f32 v2, v1  }
0x5a: {  	s6 =	sor.u32 $0x1F0, s6;
	v63 =	vor.u32 s29, v0;
	v3 =	vsel vm13, v62, v3;
	v1 =	vsel vm14, v2, v1  }
0x5b: {  	v2 =	vor.u32 s6, v0;
	v3 =	vsel vm14, v63, v3;
	vm15 =	vgt.f32 v4, v1  }
0x5c: {  	v2 =	vsel vm15, v2, v3  }
0x5d: {  	v1 =	vsel vm15, v4, v1;
	v2 =	vcvt.s32.f32 v2  }
0x5e: {  	s30 =	sshll.u32 s5, $0x5;
	[tilespmem:$0x400] =	vst v1  }
0x5f: {  	s31 =	simm.s32 $0x400;
	s6 =	sadd.s32 s30, s4;
	[tilespmem:$0x410] =	vst v2  }
0x60: {  	[spmem:s6] =	stream.linear.scatter [tilespmem:s31], [sflag:$0x3], $0x20, $0x38;
	[tilespmem:$0x1720] =	vst v63  }
0x61: {  	s6 =	simm.s32 $0x3  }
0x62: {  	_ =	swait.ge [sflag:s6], $0x20  }
0x63: {  	[sflag:s6] =	ssyncset.done $0x0  }
0x64: {  	[sflag:s6] =	ssyncadd.s32 $0xFFFFFFE0  }
0x65: {  	p0 =	sne.s32 s5, $0x0;
	[bflag:$0x0] =	sbarrier.arrive $0xFFFF  }
0x66: {  	_ =	sfence.sel @p0 $0x180000  }
0x67: {  	[bflag:$0x0] =	sbarrier.arrive @p0 $0xFFFF  }
0x68: {  	_ =	strace @p0 $0x90000047  }
0x69: {  	[bflag:$0x2] =	sbarrier.arrive @p0 $0xFFFF  }
0x6a: {  	_ =	shalt @p0  }
.LBB2_1:
0x6b: {  	s5 =	simm.s32 $0x520  }
0x6c: {  	[tilespmem:s5], [sflag:$0x3] =	stream.linear.gather [spmem:s4], $0x200, $0x38;
	[tilespmem:$0x1720] =	vst v63  }
0x6d: {  	_ =	swait.ge [sflag:s6], $0x200  }
0x6e: {  	[sflag:s6] =	ssyncset.done $0x0  }
0x6f: {  	[sflag:s6] =	ssyncadd.s32 $0xFFFFFE00  }
0x70: {  	v1 =	vld [tilespmem:$0x530]  }
0x71: {  	v2 =	vld [tilespmem:$0x550];
	_ =	sdelay $0x1  }
0x72: {  	v3 =	vld [tilespmem:$0x520]  }
0x73: {  	v4 =	vld [tilespmem:$0x540]  }
0x74: {  	v5 =	vld [tilespmem:$0x570]  }
0x75: {  	v1 =	vtrunc.f32 v1;
	v2 =	vtrunc.f32 v2  }
0x76: {  	v1 =	vcvt.f32.s32 v1;
	v2 =	vcvt.f32.s32 v2  }
0x77: {  	v6 =	vld [tilespmem:$0x560]  }
0x78: {  	v7 =	vld [tilespmem:$0x590];
	vm0 =	veq.f32 v4, v3;
	vm1 =	vlt.s32 v2, v1  }
0x79: {  	vm9 =	vgt.f32 v4, v3;
	v5 =	vtrunc.f32 v5;
	vm0 =	vmand vm0, vm1  }
0x7a: {  	v5 =	vcvt.f32.s32 v5;
	vm0 =	vmor vm9, vm0  }
0x7b: {  	v19 =	vld [tilespmem:$0x580];
	v3 =	vsel vm0, v4, v3;
	v1 =	vsel vm0, v2, v1  }
0x7c: {  	v20 =	vld [tilespmem:$0x5B0];
	vm10 =	veq.f32 v6, v3;
	vm11 =	vgt.s32 v1, v5  }
0x7d: {  	v7 =	vtrunc.f32 v7;
	vm12 =	vgt.f32 v6, v3;
	vm0 =	vmand vm10, vm11  }
0x7e: {  	v7 =	vcvt.f32.s32 v7;
	vm0 =	vmor vm12, vm0  }
0x7f: {  	v21 =	vld [tilespmem:$0x5A0];
	v3 =	vsel vm0, v6, v3;
	v1 =	vsel vm0, v5, v1  }
0x80: {  	v22 =	vld [tilespmem:$0x5D0];
	vm13 =	veq.f32 v19, v3;
	vm14 =	vgt.s32 v1, v7  }
0x81: {  	v4 =	vtrunc.f32 v20;
	vm15 =	vgt.f32 v19, v3;
	vm0 =	vmand vm13, vm14  }
0x82: {  	v4 =	vcvt.f32.s32 v4;
	vm0 =	vmor vm15, vm0  }
0x83: {  	v23 =	vld [tilespmem:$0x5C0];
	v2 =	vsel vm0, v19, v3;
	v1 =	vsel vm0, v7, v1  }
0x84: {  	v24 =	vld [tilespmem:$0x5F0];
	vm4 =	veq.f32 v21, v2;
	vm5 =	vgt.s32 v1, v4  }
0x85: {  	v6 =	vtrunc.f32 v22;
	vm6 =	vgt.f32 v21, v2;
	vm0 =	vmand vm4, vm5  }
0x86: {  	v6 =	vcvt.f32.s32 v6;
	vm0 =	vmor vm6, vm0  }
0x87: {  	v25 =	vld [tilespmem:$0x5E0];
	v2 =	vsel vm0, v21, v2;
	v1 =	vsel vm0, v4, v1  }
0x88: {  	v26 =	vld [tilespmem:$0x610];
	vm7 =	veq.f32 v23, v2;
	vm8 =	vgt.s32 v1, v6  }
0x89: {  	v7 =	vtrunc.f32 v24;
	vm9 =	vgt.f32 v23, v2;
	vm0 =	vmand vm7, vm8  }
0x8a: {  	v7 =	vcvt.f32.s32 v7;
	vm0 =	vmor vm9, vm0  }
0x8b: {  	v27 =	vld [tilespmem:$0x600];
	v2 =	vsel vm0, v23, v2;
	v1 =	vsel vm0, v6, v1  }
0x8c: {  	v28 =	vld [tilespmem:$0x630];
	vm10 =	veq.f32 v25, v2;
	vm11 =	vgt.s32 v1, v7  }
0x8d: {  	v5 =	vtrunc.f32 v26;
	vm12 =	vgt.f32 v25, v2;
	vm0 =	vmand vm10, vm11  }
0x8e: {  	v5 =	vcvt.f32.s32 v5;
	vm0 =	vmor vm12, vm0  }
0x8f: {  	v29 =	vld [tilespmem:$0x620];
	v2 =	vsel vm0, v25, v2;
	v1 =	vsel vm0, v7, v1  }
0x90: {  	v30 =	vld [tilespmem:$0x650];
	vm13 =	veq.f32 v27, v2;
	vm14 =	vgt.s32 v1, v5  }
0x91: {  	v6 =	vtrunc.f32 v28;
	vm15 =	vgt.f32 v27, v2;
	vm0 =	vmand vm13, vm14  }
0x92: {  	v6 =	vcvt.f32.s32 v6;
	vm0 =	vmor vm15, vm0  }
0x93: {  	v31 =	vld [tilespmem:$0x640];
	v2 =	vsel vm0, v27, v2;
	v1 =	vsel vm0, v5, v1  }
0x94: {  	v32 =	vld [tilespmem:$0x670];
	vm4 =	veq.f32 v29, v2;
	vm5 =	vgt.s32 v1, v6  }
0x95: {  	v7 =	vtrunc.f32 v30;
	vm6 =	vgt.f32 v29, v2;
	vm0 =	vmand vm4, vm5  }
0x96: {  	v7 =	vcvt.f32.s32 v7;
	vm0 =	vmor vm6, vm0  }
0x97: {  	v33 =	vld [tilespmem:$0x660];
	v2 =	vsel vm0, v29, v2;
	v1 =	vsel vm0, v6, v1  }
0x98: {  	v34 =	vld [tilespmem:$0x690];
	vm7 =	veq.f32 v31, v2;
	vm8 =	vgt.s32 v1, v7  }
0x99: {  	v5 =	vtrunc.f32 v32;
	vm9 =	vgt.f32 v31, v2;
	vm0 =	vmand vm7, vm8  }
0x9a: {  	v5 =	vcvt.f32.s32 v5;
	vm0 =	vmor vm9, vm0  }
0x9b: {  	v35 =	vld [tilespmem:$0x680];
	v2 =	vsel vm0, v31, v2;
	v1 =	vsel vm0, v7, v1  }
0x9c: {  	v36 =	vld [tilespmem:$0x6B0];
	vm10 =	veq.f32 v33, v2;
	vm11 =	vgt.s32 v1, v5  }
0x9d: {  	v6 =	vtrunc.f32 v34;
	vm12 =	vgt.f32 v33, v2;
	vm0 =	vmand vm10, vm11  }
0x9e: {  	v6 =	vcvt.f32.s32 v6;
	vm0 =	vmor vm12, vm0  }
0x9f: {  	v37 =	vld [tilespmem:$0x6A0];
	v2 =	vsel vm0, v33, v2;
	v1 =	vsel vm0, v5, v1  }
0xa0: {  	v38 =	vld [tilespmem:$0x6D0];
	vm13 =	veq.f32 v35, v2;
	vm14 =	vgt.s32 v1, v6  }
0xa1: {  	v7 =	vtrunc.f32 v36;
	vm15 =	vgt.f32 v35, v2;
	vm0 =	vmand vm13, vm14  }
0xa2: {  	v7 =	vcvt.f32.s32 v7;
	vm0 =	vmor vm15, vm0  }
0xa3: {  	v39 =	vld [tilespmem:$0x6C0];
	v2 =	vsel vm0, v35, v2;
	v1 =	vsel vm0, v6, v1  }
0xa4: {  	v40 =	vld [tilespmem:$0x6F0];
	vm4 =	veq.f32 v37, v2;
	vm5 =	vgt.s32 v1, v7  }
0xa5: {  	v5 =	vtrunc.f32 v38;
	vm6 =	vgt.f32 v37, v2;
	vm0 =	vmand vm4, vm5  }
0xa6: {  	v5 =	vcvt.f32.s32 v5;
	vm0 =	vmor vm6, vm0  }
0xa7: {  	v41 =	vld [tilespmem:$0x6E0];
	v2 =	vsel vm0, v37, v2;
	v1 =	vsel vm0, v7, v1  }
0xa8: {  	vm7 =	veq.f32 v39, v2;
	vm8 =	vgt.s32 v1, v5  }
0xa9: {  	v42 =	vld [tilespmem:$0x710];
	v6 =	vtrunc.f32 v40;
	vm2 =	vgt.f32 v39, v2;
	vm0 =	vmand vm7, vm8  }
0xaa: {  	v46 =	vimm.s32 $0xFEDCBA98;
	v6 =	vcvt.f32.s32 v6;
	vm0 =	vmor vm2, vm0  }
0xab: {  	v47 =	vimm.s32 $0x76543210;
	v2 =	vsel vm0, v39, v2;
	v1 =	vsel vm0, v5, v1  }
0xac: {  	v49 =	vimm.s32 $0xBA98FEDC;
	v43 =	vld [tilespmem:$0x700];
	vm9 =	veq.f32 v41, v2;
	vm10 =	vgt.s32 v1, v6  }
0xad: {  	v50 =	vimm.s32 $0x32107654;
	vm11 =	vgt.f32 v41, v2;
	vm0 =	vmand vm9, vm10  }
0xae: {  	v44 =	vtrunc.f32 v42;
	v5 =	vunpack.c.l.s4.s8 v46;
	vm0 =	vmor vm11, vm0  }
0xaf: {  	v45 =	vcvt.f32.s32 v44;
	v1 =	vsel vm0, v6, v1;
	v6 =	vunpack.c.l.s4.s8 v47  }
0xb0: {  	v51 =	vunpack.c.l.s4.s8 v49;
	v5 =	vunpack.c.0.s8.s32 v5;
	v2 =	vsel vm0, v41, v2  }
0xb1: {  	vm12 =	veq.f32 v43, v2;
	vm13 =	vgt.s32 v1, v45;
	v6 =	vunpack.c.0.s8.s32 v6  }
0xb2: {  	v48 =	vand.u32 $0xF, v5;
	vm14 =	vgt.f32 v43, v2;
	vm0 =	vmand vm12, vm13  }
0xb3: {  	v52 =	vunpack.c.l.s4.s8 v50;
	vm0 =	vmor vm14, vm0;
	v3 =	vcombine.low v48, v6  }
0xb4: {  	v4 =	vunpack.c.0.s8.s32 v51;
	v2 =	vsel vm0, v43, v2;
	v1 =	vsel vm0, v45, v1  }
0xb5: {  	v5 =	vunpack.c.0.s8.s32 v52;
	v53 =	vperm.xlane v2, v3;
	v3 =	vperm.xlane v1, v3  }
0xb6: {  	v55 =	vimm.s32 $0xDCFE98BA;
	v56 =	vimm.s32 $0x54761032  }
0xb7: {  	v4 =	vcombine.low v5, v4;
	vm15 =	veq.f32 v53, v2;
	vm4 =	vlt.s32 v3, v1  }
0xb8: {  	v5 =	vunpack.c.l.s4.s8 v55;
	vm5 =	vgt.f32 v53, v2;
	vm0 =	vmand vm15, vm4  }
0xb9: {  	v4 =	vand.u32 $0xF, v4;
	v6 =	vunpack.c.l.s4.s8 v56;
	vm0 =	vmor vm5, vm0  }
0xba: {  	v5 =	vunpack.c.0.s8.s32 v5;
	v2 =	vsel vm0, v53, v2;
	v1 =	vsel vm0, v3, v1  }
0xbb: {  	v6 =	vunpack.c.0.s8.s32 v6;
	v54 =	vperm.xlane v2, v4;
	v4 =	vperm.xlane v1, v4  }
0xbc: {  	v58 =	vimm.s32 $0xEFCDAB89  }
0xbd: {  	v57 =	vcombine.low v6, v5;
	vm6 =	veq.f32 v54, v2;
	vm7 =	vlt.s32 v4, v1  }
0xbe: {  	v59 =	vimm.s32 $0x67452301;
	vm8 =	vgt.f32 v54, v2;
	vm0 =	vmand vm6, vm7  }
0xbf: {  	v5 =	vunpack.c.l.s4.s8 v59;
	v3 =	vand.u32 $0xF, v57;
	vm0 =	vmor vm8, vm0  }
0xc0: {  	v2 =	vsel vm0, v54, v2;
	v1 =	vsel vm0, v4, v1;
	v4 =	vunpack.c.l.s4.s8 v58  }
0xc1: {  	v60 =	vperm.xlane v2, v3;
	v3 =	vperm.xlane v1, v3  }
0xc2: {  	v5 =	vunpack.c.0.s8.s32 v5;
	v4 =	vunpack.c.0.s8.s32 v4  }
0xc3: {  	vm9 =	veq.f32 v60, v2;
	vm10 =	vlt.s32 v3, v1  }
0xc4: {  	vm11 =	vgt.f32 v60, v2;
	v4 =	vcombine.low v5, v4;
	vm0 =	vmand vm9, vm10  }
0xc5: {  	vm0 =	vmor vm11, vm0  }
0xc6: {  	v2 =	vsel vm0, v60, v2;
	v1 =	vsel vm0, v3, v1;
	v61 =	vand.u32 $0xF, v4  }
0xc7: {  	v4 =	vperm.xlane v2, v61;
	v3 =	vperm.xlane v1, v61;
	_ =	sdelay $0x1  }
0xc8: {  	vm12 =	veq.f32 v4, v2;
	vm13 =	vlt.s32 v3, v1  }
0xc9: {  	vm14 =	vgt.f32 v4, v2;
	vm0 =	vmand vm12, vm13  }
0xca: {  	vm0 =	vmor vm14, vm0  }
0xcb: {  	v1 =	vsel vm0, v3, v1  }
0xcc: {  	[tilespmem:$0x480] =	vst v1  }
0xcd: {  	v1 =	vld.msk [tilespmem:$0x480], $0x1;
	_ =	sdelay $0x4  }
0xce: {  	v62 =	vshll.u32 v1, $0x5  }
0xcf: {  	v1 =	vand.u32 $0x7, v1;
	v2 =	vand.u32 $0xFFFFFF00, v62  }
0xd0: {  	v63 =	vimm.s32 $0x0;
	v1 =	vor.u32 v1, v2  }
0xd1: {  	v0 =	vmul.u32 $0x8, v0;
	v1 =	vperm.xlane v1, v63;
	_ =	sdelay $0x1  }
0xd2: {  	v0 =	vadd.s32 v0, v1;
	_ =	sdelay $0x3  }
0xd3: {  	s29 =	simm.s32 $0x720;
	vm15 =	vmmov $0xffff  }
0xd4: {  	[tilespmem:s29], [sflag:$0x3] =	stream.indirect_vreg.gather [hbm4b:s2+s3], $0x80, v0, vm15, $0xb8;
	[tilespmem:$0x1720] =	vst v63  }
0xd5: {  	s30 =	sadd.s32 $0x800, s2;
	s31 =	simm.s32 $0xF20  }
0xd6: {  	[tilespmem:s31], [sflag:$0x3] =	stream.indirect_vreg.gather [hbm4b:s30+s3], $0x80, v0, vm15, $0xb8;
	[tilespmem:$0x1720] =	vst v63  }
0xd7: {  	_ =	swait.ge [sflag:s6], $0x1000  }
0xd8: {  	[sflag:s6] =	ssyncset.done $0x0  }
0xd9: {  	[sflag:s6] =	ssyncadd.s32 $0xFFFFF000  }
0xda: {  	[hbm4b:s1+s3] =	stream.linear.scatter [tilespmem:s29], [sflag:$0x3], $0x1000, $0x38;
	[tilespmem:$0x1720] =	vst v63  }
0xdb: {  	_ =	swait.ge [sflag:s6], $0x1000  }
0xdc: {  	[sflag:s6] =	ssyncset.done $0x0  }
0xdd: {  	[sflag:s6] =	ssyncadd.s32 $0xFFFFF000  }
0xde: {  	_ =	sfence.sel $0x180000  }
0xdf: {  	[bflag:$0x0] =	sbarrier.arrive $0xFFFF  }
0xe0: {  	_ =	strace $0x90000047  }
0xe1: {  	s0 =	sadd.s32 $0x100000, s0;
	[bflag:$0x2] =	sbarrier.arrive $0xFFFF  }
0xe2: {  	[sflag:s0] =	ssyncadd.tile.s32 $0x1;
	_ =	shalt  }
.Lfunc_end2:
_tile_overlayer_lowered:
.L_overlay_start_2:
0xe3: {  	(tag) =	ssettag $0x2  }
0xe4: {  	s0 =	rddreg [dreg:$0x0];
	s2 =	stileid.u32  }
0xe5: {  	s1 =	rddreg [dreg:$0x1];
	p0 =	sne.s32 s2, $0x0  }
0xe6: {  	s3 =	rddreg [dreg:$0x2];
	[bflag:$0x3] =	sbarrier.arrive $0xFFFF;
	s2 =	simm.s32 @!p0 $0x1C03  }
0xe7: {  	[timem:s3], [sflag:s2] =	dma.local @!p0 [hbm:s0], s1  }
0xe8: {  	s0 =	simm.s32 @!p0 $0x3  }
0xe9: {  	_ =	swait.ge @!p0 [sflag:s0], s1  }
0xea: {  	s1 =	ssub.s32 @!p0 $0x0, s1;
	[sflag:s0] =	ssyncset.done @!p0 $0x0  }
0xeb: {  	[sflag:s0] =	ssyncadd.s32 @!p0 s1  }
0xec: {  	[bflag:$0x3] =	sbarrier.arrive $0xFFFF  }
0xed: {  	_ =	shalt  }

</sc_bundles>
